<compile_context>
chip_gen: v7x
topology: tpu7x:2x2x1
jax: 0.10.2.dev20260603
libtpu: 0.0.44.dev20260713+nightly
codegen_flags: <defaults>
</compile_context>

<pallas_src>
import functools

import jax
import jax.numpy as jnp
from jax import lax
from jax.experimental import pallas as pl
from jax.experimental.pallas import tpu as pltpu
from jax.experimental.pallas import tpu_sc as plsc

_NB = 16
_NA = 3
_NCH = 85
_H = 64
_W = 64
_C = _NA * _NCH
_NCORES = 2
_NSUB = 16
_NW = _NCORES * _NSUB
_LANES = 16

_ROWS = _NB * _H
_RPT = _ROWS // _NW
_NBUF = 7
_CONF = (4, 89, 174)
_GPR = _W // _LANES


def _conf_partials_sc(act):
    mesh = plsc.VectorSubcoreMesh(core_axis_name="c", subcore_axis_name="s")

    @functools.partial(
        pl.kernel,
        mesh=mesh,
        out_type=jax.ShapeDtypeStruct((_NW, _LANES), jnp.float32),
        compiler_params=pltpu.CompilerParams(needs_layout_passes=False),
        scratch_types=[
            pltpu.VMEM((_NBUF, _W, _C), jnp.float32),
            pltpu.VMEM((_LANES,), jnp.float32),
            pltpu.SemaphoreType.DMA((_NBUF,)),
        ],
    )
    def k(act_hbm, out_hbm, buf, vec_v, sem):
        cid = lax.axis_index("c")
        sid = lax.axis_index("s")
        wid = sid * _NCORES + cid
        row0 = wid * _RPT

        lane_iota = lax.iota(jnp.int32, _LANES)
        ones = jnp.ones((_LANES,), jnp.int32)

        for j in range(_NBUF - 1):
            pltpu.async_copy(
                act_hbm.at[pl.ds(row0 + j, 1), :, :], buf.at[pl.ds(j, 1)],
                sem.at[j],
            )

        def chunk_body(t, acc):
            par = lax.rem(t, _NBUF)
            pltpu.make_async_copy(
                act_hbm.at[pl.ds(row0, 1), :, :], buf.at[pl.ds(par, 1)],
                sem.at[par],
            ).wait()

            @pl.when(t + _NBUF - 1 < _RPT)
            def _():
                nxt = lax.rem(t + _NBUF - 1, _NBUF)
                pltpu.async_copy(
                    act_hbm.at[pl.ds(row0 + t + _NBUF - 1, 1), :, :],
                    buf.at[pl.ds(nxt, 1)],
                    sem.at[nxt],
                )

            for conf_c in _CONF:
                for g in range(_GPR):
                    x = plsc.load_gather(
                        buf,
                        [par * ones, g * _LANES + lane_iota, conf_c * ones],
                    )
                    s = 1.0 / (1.0 + jnp.exp(-x))
                    acc = acc + s * s
            return acc

        acc = lax.fori_loop(
            0, _RPT, chunk_body, jnp.zeros((_LANES,), jnp.float32)
        )

        vec_v[...] = acc
        pltpu.sync_copy(vec_v, out_hbm.at[wid])

    return k(act)


def kernel(output, target):
    del target
    act = jnp.transpose(output, (0, 2, 3, 1)).reshape(_ROWS, _W, _C)
    partials = _conf_partials_sc(act)
    return jnp.sum(partials)

# --- scband reference (transcript-rebuilt; emitter-appended) ---
"""Pipeline reference for scband-yolo-layer-30545807409246 (READ-ONLY COPY).

The authoritative reference and input builder live on the scoring server;
editing this copy changes nothing except your own understanding.
"""

import jax, jax.numpy as jnp
import numpy as np

ANCHORS = [10, 13, 16, 30, 33, 23, 30, 61, 62, 45, 59, 119, 116, 90, 156, 198, 373, 326]
ANCHOR_MASK = [0, 1, 2]
NUM_ANCHORS = 9
NUM_CLASSES = 80
STRIDE = 32
ANCHOR_STEP = len(ANCHORS) // NUM_ANCHORS


def _masked_anchors():
    ma = []
    for m in ANCHOR_MASK:
        ma += ANCHORS[m * ANCHOR_STEP:(m + 1) * ANCHOR_STEP]
    return jnp.asarray([a / STRIDE for a in ma], dtype=jnp.float32)


def setup_inputs(seed: int = 0) -> dict:
    key = jax.random.key(seed)
    k1, k2 = jax.random.split(key)
    output = jax.random.normal(k1, (16, 255, 64, 64), dtype=jnp.float32)
    # target all zeros: first field of every gt slot is 0 -> no ground truth boxes
    target = jnp.zeros((16, 250), dtype=jnp.float32)
    return {"output": output, "target": target}


def reference(output, target):
    nB, _, nH, nW = output.shape
    nA = len(ANCHOR_MASK)
    nC = NUM_CLASSES
    anchors = _masked_anchors().reshape(nA, ANCHOR_STEP)
    cad = nB * nA * nH * nW  # cls_anchor_dim

    out = output.reshape(nB, nA, 5 + nC, nH, nW)

    # coord: [4, cls_anchor_dim], first two channels sigmoided
    coord = out[:, :, 0:4].reshape(nB * nA, 4, nH * nW).transpose(1, 0, 2).reshape(4, cad)
    coord = coord.at[0:2].set(jax.nn.sigmoid(coord[0:2]))

    conf = jax.nn.sigmoid(out[:, :, 4])  # [nB, nA, nH, nW]

    cls_ = out[:, :, 5:].reshape(nB * nA, nC, nH * nW).transpose(0, 2, 1).reshape(cad, nC)

    grid_x = jnp.tile(jnp.linspace(0.0, nW - 1, nW), (nB * nA, nH, 1)).reshape(cad)
    grid_y = jnp.tile(jnp.tile(jnp.linspace(0.0, nH - 1, nH), (nW, 1)).T, (nB * nA, 1, 1)).reshape(cad)
    anchor_w = jnp.tile(anchors[:, 0:1], (1, nB * nH * nW)).reshape(cad)
    anchor_h = jnp.tile(anchors[:, 1:2], (1, nB * nH * nW)).reshape(cad)

    pb0 = coord[0] + grid_x
    pb1 = coord[1] + grid_y
    pb2 = jnp.exp(coord[2]) * anchor_w
    pb3 = jnp.exp(coord[3]) * anchor_h
    pred_boxes = jax.lax.stop_gradient(jnp.stack([pb0, pb1, pb2, pb3], 0).T.reshape(-1, 4))

    # build_targets with all-zero target: the per-gt loops break immediately
    # (tbox[t][1] == 0), so nGT = 0 and the targets degenerate to:
    #   conf_mask = ones, coord_mask = zeros, cls_mask = zeros,
    #   tcoord = zeros, tconf = zeros, tcls = empty
    conf_mask = jnp.ones((nB, nA, nH, nW), dtype=jnp.float32)
    coord_mask = jnp.zeros((cad,), dtype=jnp.float32)
    tcoord = jnp.zeros((4, cad), dtype=jnp.float32)
    tconf = jnp.zeros((nB, nA, nH, nW), dtype=jnp.float32)

    # sum-reduced MSE losses (size_average=False)
    loss_coord = jnp.sum((coord * coord_mask - tcoord * coord_mask) ** 2) / 2.0
    loss_conf = jnp.sum((conf * conf_mask - tconf * conf_mask) ** 2)
    # cls_mask selects zero rows -> CrossEntropy branch returns scalar 0
    loss_cls = jnp.asarray(0.0, dtype=jnp.float32)

    loss = loss_coord + loss_conf + loss_cls
    # keep pred_boxes live so the decode path is actually materialized
    loss = loss + 0.0 * jax.lax.stop_gradient(jnp.sum(pred_boxes)) * 0.0
    return loss

if __name__ == "__main__":
    import jax
    _d = setup_inputs()
    print(jax.jit(kernel)(*tuple(_d.values())))

</pallas_src>

<mosaic_0001>
#map = affine_map<(d0, d1) -> (0, 0, 0)>
#map1 = affine_map<(d0, d1) -> (0, 0)>
module attributes {stable_mosaic.version = 14 : i64} {
  func.func @k(%arg0: i32, %arg1: i32, %arg2: memref<1024x64x255xf32, #tpu.memory_space<hbm>>, %arg3: memref<32x16xf32, #tpu.memory_space<hbm>>, %arg4: memref<7x64x255xf32, #tpu.memory_space<vmem>>, %arg5: memref<16xf32, #tpu.memory_space<vmem>>, %arg6: memref<7x!tpu.dma_semaphore, #tpu.memory_space<semaphore_mem>>) attributes {dimension_semantics = [#tpu.dimension_semantics<core_parallel>, #tpu.dimension_semantics<subcore_parallel>], iteration_bounds = array<i64: 2, 16>, scalar_prefetch = 0 : i64, scratch_operands = 3 : i64, tpu.core_type = #tpu.core_type<sc_vector_subcore>, window_params = [{transform_indices = #map}, {transform_indices = #map1}]} {
    %mul3A = arith.constant 2 : i32
    %mul3A_0 = arith.muli %arg1, %mul3A : i32
    %add3A = arith.addi %mul3A_0, %arg0 : i32
    %mul3A_1 = arith.constant 32 : i32
    %mul3A_2 = arith.muli %add3A, %mul3A_1 : i32
    %iota3A = tpu.iota {dimensions = array<i32: 0>} : vector<16xi32>
    %broadcast_in_dim3A = arith.constant 1 : i32
    %broadcast_in_dim3A_3 = vector.broadcast %broadcast_in_dim3A : i32 to vector<16xi32>
    %add3A_4 = arith.constant 0 : i32
    %add3A_5 = arith.addi %mul3A_2, %add3A_4 : i32
    %dma_start3A = arith.constant 0 : i32
    %dma_start3A_6 = arith.constant 0 : i32
    %dma_start3A_7 = arith.constant 0 : i32
    %dma_start3A_8 = arith.constant 0 : i32
    %dma_start3A_9 = tpu.memref_slice %arg4[%dma_start3A_6, %dma_start3A_7, %dma_start3A_8] : memref<7x64x255xf32, #tpu.memory_space<vmem>> -> memref<1x64x255xf32, #tpu.memory_space<vmem>>
    %dma_start3A_10 = arith.constant 0 : i32
    %dma_start3A_11 = arith.constant 0 : i32
    %dma_start3A_12 = tpu.memref_slice %arg2[%add3A_5, %dma_start3A_10, %dma_start3A_11] : memref<1024x64x255xf32, #tpu.memory_space<hbm>> -> memref<1x64x255xf32, #tpu.memory_space<hbm>>
    %dma_start3A_13 = tpu.memref_slice %arg6[%dma_start3A] : memref<7x!tpu.dma_semaphore, #tpu.memory_space<semaphore_mem>> -> memref<1x!tpu.dma_semaphore, #tpu.memory_space<semaphore_mem>>
    %dma_start3A_14 = tpu.memref_squeeze %dma_start3A_13 : memref<1x!tpu.dma_semaphore, #tpu.memory_space<semaphore_mem>> -> memref<!tpu.dma_semaphore, #tpu.memory_space<semaphore_mem>>
    %dma_start3A_15 = arith.constant 0 : i32
    %dma_start3A_16 = arith.constant 0 : i32
    %dma_start3A_17 = arith.constant 0 : i32
    %dma_start3A_18 = tpu.memref_slice %arg4[%dma_start3A_15, %dma_start3A_16, %dma_start3A_17] : memref<7x64x255xf32, #tpu.memory_space<vmem>> -> memref<1x64x255xf32, #tpu.memory_space<vmem>>
    %dma_start3A_19 = arith.constant 0 : i32
    %dma_start3A_20 = arith.constant 0 : i32
    %dma_start3A_21 = tpu.memref_slice %arg2[%add3A_5, %dma_start3A_19, %dma_start3A_20] : memref<1024x64x255xf32, #tpu.memory_space<hbm>> -> memref<1x64x255xf32, #tpu.memory_space<hbm>>
    tpu.enqueue_dma source(%dma_start3A_21 : memref<1x64x255xf32, #tpu.memory_space<hbm>>) target(%dma_start3A_18 : memref<1x64x255xf32, #tpu.memory_space<vmem>>) target_semaphore(%dma_start3A_14 : memref<!tpu.dma_semaphore, #tpu.memory_space<semaphore_mem>>)
    %add3A_22 = arith.constant 1 : i32
    %add3A_23 = arith.addi %mul3A_2, %add3A_22 : i32
    %dma_start3A_24 = arith.constant 1 : i32
    %dma_start3A_25 = arith.constant 1 : i32
    %dma_start3A_26 = arith.constant 0 : i32
    %dma_start3A_27 = arith.constant 0 : i32
    %dma_start3A_28 = tpu.memref_slice %arg4[%dma_start3A_25, %dma_start3A_26, %dma_start3A_27] : memref<7x64x255xf32, #tpu.memory_space<vmem>> -> memref<1x64x255xf32, #tpu.memory_space<vmem>>
    %dma_start3A_29 = arith.constant 0 : i32
    %dma_start3A_30 = arith.constant 0 : i32
    %dma_start3A_31 = tpu.memref_slice %arg2[%add3A_23, %dma_start3A_29, %dma_start3A_30] : memref<1024x64x255xf32, #tpu.memory_space<hbm>> -> memref<1x64x255xf32, #tpu.memory_space<hbm>>
    %dma_start3A_32 = tpu.memref_slice %arg6[%dma_start3A_24] : memref<7x!tpu.dma_semaphore, #tpu.memory_space<semaphore_mem>> -> memref<1x!tpu.dma_semaphore, #tpu.memory_space<semaphore_mem>>
    %dma_start3A_33 = tpu.memref_squeeze %dma_start3A_32 : memref<1x!tpu.dma_semaphore, #tpu.memory_space<semaphore_mem>> -> memref<!tpu.dma_semaphore, #tpu.memory_space<semaphore_mem>>
    %dma_start3A_34 = arith.constant 1 : i32
    %dma_start3A_35 = arith.constant 0 : i32
    %dma_start3A_36 = arith.constant 0 : i32
    %dma_start3A_37 = tpu.memref_slice %arg4[%dma_start3A_34, %dma_start3A_35, %dma_start3A_36] : memref<7x64x255xf32, #tpu.memory_space<vmem>> -> memref<1x64x255xf32, #tpu.memory_space<vmem>>
    %dma_start3A_38 = arith.constant 0 : i32
    %dma_start3A_39 = arith.constant 0 : i32
    %dma_start3A_40 = tpu.memref_slice %arg2[%add3A_23, %dma_start3A_38, %dma_start3A_39] : memref<1024x64x255xf32, #tpu.memory_space<hbm>> -> memref<1x64x255xf32, #tpu.memory_space<hbm>>
    tpu.enqueue_dma source(%dma_start3A_40 : memref<1x64x255xf32, #tpu.memory_space<hbm>>) target(%dma_start3A_37 : memref<1x64x255xf32, #tpu.memory_space<vmem>>) target_semaphore(%dma_start3A_33 : memref<!tpu.dma_semaphore, #tpu.memory_space<semaphore_mem>>)
    %add3A_41 = arith.constant 2 : i32
    %add3A_42 = arith.addi %mul3A_2, %add3A_41 : i32
    %dma_start3A_43 = arith.constant 2 : i32
    %dma_start3A_44 = arith.constant 2 : i32
    %dma_start3A_45 = arith.constant 0 : i32
    %dma_start3A_46 = arith.constant 0 : i32
    %dma_start3A_47 = tpu.memref_slice %arg4[%dma_start3A_44, %dma_start3A_45, %dma_start3A_46] : memref<7x64x255xf32, #tpu.memory_space<vmem>> -> memref<1x64x255xf32, #tpu.memory_space<vmem>>
    %dma_start3A_48 = arith.constant 0 : i32
    %dma_start3A_49 = arith.constant 0 : i32
    %dma_start3A_50 = tpu.memref_slice %arg2[%add3A_42, %dma_start3A_48, %dma_start3A_49] : memref<1024x64x255xf32, #tpu.memory_space<hbm>> -> memref<1x64x255xf32, #tpu.memory_space<hbm>>
    %dma_start3A_51 = tpu.memref_slice %arg6[%dma_start3A_43] : memref<7x!tpu.dma_semaphore, #tpu.memory_space<semaphore_mem>> -> memref<1x!tpu.dma_semaphore, #tpu.memory_space<semaphore_mem>>
    %dma_start3A_52 = tpu.memref_squeeze %dma_start3A_51 : memref<1x!tpu.dma_semaphore, #tpu.memory_space<semaphore_mem>> -> memref<!tpu.dma_semaphore, #tpu.memory_space<semaphore_mem>>
    %dma_start3A_53 = arith.constant 2 : i32
    %dma_start3A_54 = arith.constant 0 : i32
    %dma_start3A_55 = arith.constant 0 : i32
    %dma_start3A_56 = tpu.memref_slice %arg4[%dma_start3A_53, %dma_start3A_54, %dma_start3A_55] : memref<7x64x255xf32, #tpu.memory_space<vmem>> -> memref<1x64x255xf32, #tpu.memory_space<vmem>>
    %dma_start3A_57 = arith.constant 0 : i32
    %dma_start3A_58 = arith.constant 0 : i32
    %dma_start3A_59 = tpu.memref_slice %arg2[%add3A_42, %dma_start3A_57, %dma_start3A_58] : memref<1024x64x255xf32, #tpu.memory_space<hbm>> -> memref<1x64x255xf32, #tpu.memory_space<hbm>>
    tpu.enqueue_dma source(%dma_start3A_59 : memref<1x64x255xf32, #tpu.memory_space<hbm>>) target(%dma_start3A_56 : memref<1x64x255xf32, #tpu.memory_space<vmem>>) target_semaphore(%dma_start3A_52 : memref<!tpu.dma_semaphore, #tpu.memory_space<semaphore_mem>>)
    %add3A_60 = arith.constant 3 : i32
    %add3A_61 = arith.addi %mul3A_2, %add3A_60 : i32
    %dma_start3A_62 = arith.constant 3 : i32
    %dma_start3A_63 = arith.constant 3 : i32
    %dma_start3A_64 = arith.constant 0 : i32
    %dma_start3A_65 = arith.constant 0 : i32
    %dma_start3A_66 = tpu.memref_slice %arg4[%dma_start3A_63, %dma_start3A_64, %dma_start3A_65] : memref<7x64x255xf32, #tpu.memory_space<vmem>> -> memref<1x64x255xf32, #tpu.memory_space<vmem>>
    %dma_start3A_67 = arith.constant 0 : i32
    %dma_start3A_68 = arith.constant 0 : i32
    %dma_start3A_69 = tpu.memref_slice %arg2[%add3A_61, %dma_start3A_67, %dma_start3A_68] : memref<1024x64x255xf32, #tpu.memory_space<hbm>> -> memref<1x64x255xf32, #tpu.memory_space<hbm>>
    %dma_start3A_70 = tpu.memref_slice %arg6[%dma_start3A_62] : memref<7x!tpu.dma_semaphore, #tpu.memory_space<semaphore_mem>> -> memref<1x!tpu.dma_semaphore, #tpu.memory_space<semaphore_mem>>
    %dma_start3A_71 = tpu.memref_squeeze %dma_start3A_70 : memref<1x!tpu.dma_semaphore, #tpu.memory_space<semaphore_mem>> -> memref<!tpu.dma_semaphore, #tpu.memory_space<semaphore_mem>>
    %dma_start3A_72 = arith.constant 3 : i32
    %dma_start3A_73 = arith.constant 0 : i32
    %dma_start3A_74 = arith.constant 0 : i32
    %dma_start3A_75 = tpu.memref_slice %arg4[%dma_start3A_72, %dma_start3A_73, %dma_start3A_74] : memref<7x64x255xf32, #tpu.memory_space<vmem>> -> memref<1x64x255xf32, #tpu.memory_space<vmem>>
    %dma_start3A_76 = arith.constant 0 : i32
    %dma_start3A_77 = arith.constant 0 : i32
    %dma_start3A_78 = tpu.memref_slice %arg2[%add3A_61, %dma_start3A_76, %dma_start3A_77] : memref<1024x64x255xf32, #tpu.memory_space<hbm>> -> memref<1x64x255xf32, #tpu.memory_space<hbm>>
    tpu.enqueue_dma source(%dma_start3A_78 : memref<1x64x255xf32, #tpu.memory_space<hbm>>) target(%dma_start3A_75 : memref<1x64x255xf32, #tpu.memory_space<vmem>>) target_semaphore(%dma_start3A_71 : memref<!tpu.dma_semaphore, #tpu.memory_space<semaphore_mem>>)
    %add3A_79 = arith.constant 4 : i32
    %add3A_80 = arith.addi %mul3A_2, %add3A_79 : i32
    %dma_start3A_81 = arith.constant 4 : i32
    %dma_start3A_82 = arith.constant 4 : i32
    %dma_start3A_83 = arith.constant 0 : i32
    %dma_start3A_84 = arith.constant 0 : i32
    %dma_start3A_85 = tpu.memref_slice %arg4[%dma_start3A_82, %dma_start3A_83, %dma_start3A_84] : memref<7x64x255xf32, #tpu.memory_space<vmem>> -> memref<1x64x255xf32, #tpu.memory_space<vmem>>
    %dma_start3A_86 = arith.constant 0 : i32
    %dma_start3A_87 = arith.constant 0 : i32
    %dma_start3A_88 = tpu.memref_slice %arg2[%add3A_80, %dma_start3A_86, %dma_start3A_87] : memref<1024x64x255xf32, #tpu.memory_space<hbm>> -> memref<1x64x255xf32, #tpu.memory_space<hbm>>
    %dma_start3A_89 = tpu.memref_slice %arg6[%dma_start3A_81] : memref<7x!tpu.dma_semaphore, #tpu.memory_space<semaphore_mem>> -> memref<1x!tpu.dma_semaphore, #tpu.memory_space<semaphore_mem>>
    %dma_start3A_90 = tpu.memref_squeeze %dma_start3A_89 : memref<1x!tpu.dma_semaphore, #tpu.memory_space<semaphore_mem>> -> memref<!tpu.dma_semaphore, #tpu.memory_space<semaphore_mem>>
    %dma_start3A_91 = arith.constant 4 : i32
    %dma_start3A_92 = arith.constant 0 : i32
    %dma_start3A_93 = arith.constant 0 : i32
    %dma_start3A_94 = tpu.memref_slice %arg4[%dma_start3A_91, %dma_start3A_92, %dma_start3A_93] : memref<7x64x255xf32, #tpu.memory_space<vmem>> -> memref<1x64x255xf32, #tpu.memory_space<vmem>>
    %dma_start3A_95 = arith.constant 0 : i32
    %dma_start3A_96 = arith.constant 0 : i32
    %dma_start3A_97 = tpu.memref_slice %arg2[%add3A_80, %dma_start3A_95, %dma_start3A_96] : memref<1024x64x255xf32, #tpu.memory_space<hbm>> -> memref<1x64x255xf32, #tpu.memory_space<hbm>>
    tpu.enqueue_dma source(%dma_start3A_97 : memref<1x64x255xf32, #tpu.memory_space<hbm>>) target(%dma_start3A_94 : memref<1x64x255xf32, #tpu.memory_space<vmem>>) target_semaphore(%dma_start3A_90 : memref<!tpu.dma_semaphore, #tpu.memory_space<semaphore_mem>>)
    %add3A_98 = arith.constant 5 : i32
    %add3A_99 = arith.addi %mul3A_2, %add3A_98 : i32
    %dma_start3A_100 = arith.constant 5 : i32
    %dma_start3A_101 = arith.constant 5 : i32
    %dma_start3A_102 = arith.constant 0 : i32
    %dma_start3A_103 = arith.constant 0 : i32
    %dma_start3A_104 = tpu.memref_slice %arg4[%dma_start3A_101, %dma_start3A_102, %dma_start3A_103] : memref<7x64x255xf32, #tpu.memory_space<vmem>> -> memref<1x64x255xf32, #tpu.memory_space<vmem>>
    %dma_start3A_105 = arith.constant 0 : i32
    %dma_start3A_106 = arith.constant 0 : i32
    %dma_start3A_107 = tpu.memref_slice %arg2[%add3A_99, %dma_start3A_105, %dma_start3A_106] : memref<1024x64x255xf32, #tpu.memory_space<hbm>> -> memref<1x64x255xf32, #tpu.memory_space<hbm>>
    %dma_start3A_108 = tpu.memref_slice %arg6[%dma_start3A_100] : memref<7x!tpu.dma_semaphore, #tpu.memory_space<semaphore_mem>> -> memref<1x!tpu.dma_semaphore, #tpu.memory_space<semaphore_mem>>
    %dma_start3A_109 = tpu.memref_squeeze %dma_start3A_108 : memref<1x!tpu.dma_semaphore, #tpu.memory_space<semaphore_mem>> -> memref<!tpu.dma_semaphore, #tpu.memory_space<semaphore_mem>>
    %dma_start3A_110 = arith.constant 5 : i32
    %dma_start3A_111 = arith.constant 0 : i32
    %dma_start3A_112 = arith.constant 0 : i32
    %dma_start3A_113 = tpu.memref_slice %arg4[%dma_start3A_110, %dma_start3A_111, %dma_start3A_112] : memref<7x64x255xf32, #tpu.memory_space<vmem>> -> memref<1x64x255xf32, #tpu.memory_space<vmem>>
    %dma_start3A_114 = arith.constant 0 : i32
    %dma_start3A_115 = arith.constant 0 : i32
    %dma_start3A_116 = tpu.memref_slice %arg2[%add3A_99, %dma_start3A_114, %dma_start3A_115] : memref<1024x64x255xf32, #tpu.memory_space<hbm>> -> memref<1x64x255xf32, #tpu.memory_space<hbm>>
    tpu.enqueue_dma source(%dma_start3A_116 : memref<1x64x255xf32, #tpu.memory_space<hbm>>) target(%dma_start3A_113 : memref<1x64x255xf32, #tpu.memory_space<vmem>>) target_semaphore(%dma_start3A_109 : memref<!tpu.dma_semaphore, #tpu.memory_space<semaphore_mem>>)
    %broadcast_in_dim3A_117 = arith.constant 0.000000e+00 : f32
    %broadcast_in_dim3A_118 = vector.broadcast %broadcast_in_dim3A_117 : f32 to vector<16xf32>
    %scan3A = arith.constant 0 : i32
    %scan3A_119 = arith.constant 32 : i32
    %scan3A_120 = arith.addi %scan3A, %scan3A_119 : i32
    %scan3A_121 = arith.constant 1 : i32
    %scan3A_122 = scf.for %scan3A_125 = %scan3A to %scan3A_120 step %scan3A_121 iter_args(%scan3A_126 = %broadcast_in_dim3A_118) -> (vector<16xf32>)  : i32 {
      %rem3A = arith.constant 7 : i32
      %rem3A_127 = arith.remsi %scan3A_125, %rem3A : i32
      %dma_wait3A = arith.constant 0 : i32
      %dma_wait3A_128 = arith.constant 0 : i32
      %dma_wait3A_129 = tpu.memref_slice %arg4[%rem3A_127, %dma_wait3A, %dma_wait3A_128] : memref<7x64x255xf32, #tpu.memory_space<vmem>> -> memref<1x64x255xf32, #tpu.memory_space<vmem>>
      %dma_wait3A_130 = arith.constant 0 : i32
      %dma_wait3A_131 = arith.constant 0 : i32
      %dma_wait3A_132 = tpu.memref_slice %arg2[%mul3A_2, %dma_wait3A_130, %dma_wait3A_131] : memref<1024x64x255xf32, #tpu.memory_space<hbm>> -> memref<1x64x255xf32, #tpu.memory_space<hbm>>
      %dma_wait3A_133 = tpu.memref_slice %arg6[%rem3A_127] : memref<7x!tpu.dma_semaphore, #tpu.memory_space<semaphore_mem>> -> memref<1x!tpu.dma_semaphore, #tpu.memory_space<semaphore_mem>>
      %dma_wait3A_134 = tpu.memref_squeeze %dma_wait3A_133 : memref<1x!tpu.dma_semaphore, #tpu.memory_space<semaphore_mem>> -> memref<!tpu.dma_semaphore, #tpu.memory_space<semaphore_mem>>
      %dma_wait3A_135 = arith.constant 0 : i32
      %dma_wait3A_136 = arith.constant 0 : i32
      %dma_wait3A_137 = tpu.memref_slice %arg4[%rem3A_127, %dma_wait3A_135, %dma_wait3A_136] : memref<7x64x255xf32, #tpu.memory_space<vmem>> -> memref<1x64x255xf32, #tpu.memory_space<vmem>>
      %dma_wait3A_138 = arith.constant 0 : i32
      %dma_wait3A_139 = arith.constant 0 : i32
      %dma_wait3A_140 = tpu.memref_slice %arg2[%mul3A_2, %dma_wait3A_138, %dma_wait3A_139] : memref<1024x64x255xf32, #tpu.memory_space<hbm>> -> memref<1x64x255xf32, #tpu.memory_space<hbm>>
      tpu.wait_dma2 semaphore(%dma_wait3A_134 : memref<!tpu.dma_semaphore, #tpu.memory_space<semaphore_mem>>) src(%dma_wait3A_140 : memref<1x64x255xf32, #tpu.memory_space<hbm>>) dst(%dma_wait3A_137 : memref<1x64x255xf32, #tpu.memory_space<vmem>>)
      %add3A_141 = arith.constant 7 : i32
      %add3A_142 = arith.addi %scan3A_125, %add3A_141 : i32
      %sub3A = arith.constant 1 : i32
      %sub3A_143 = arith.subi %add3A_142, %sub3A : i32
      %lt3A = arith.constant 32 : i32
      %lt3A_144 = arith.cmpi slt, %sub3A_143, %lt3A : i32
      %convert_element_type3A = arith.extui %lt3A_144 : i1 to i32
      %cond3A = arith.constant 0 : i32
      %cond3A_145 = arith.cmpi ne, %convert_element_type3A, %cond3A : i32
      scf.if %cond3A_145 {
        %add3A_394 = arith.constant 7 : i32
        %add3A_395 = arith.addi %scan3A_125, %add3A_394 : i32
        %sub3A_396 = arith.constant 1 : i32
        %sub3A_397 = arith.subi %add3A_395, %sub3A_396 : i32
        %rem3A_398 = arith.constant 7 : i32
        %rem3A_399 = arith.remsi %sub3A_397, %rem3A_398 : i32
        %add3A_400 = arith.addi %mul3A_2, %scan3A_125 : i32
        %add3A_401 = arith.constant 7 : i32
        %add3A_402 = arith.addi %add3A_400, %add3A_401 : i32
        %sub3A_403 = arith.constant 1 : i32
        %sub3A_404 = arith.subi %add3A_402, %sub3A_403 : i32
        %dma_start3A_405 = arith.constant 0 : i32
        %dma_start3A_406 = arith.constant 0 : i32
        %dma_start3A_407 = tpu.memref_slice %arg4[%rem3A_399, %dma_start3A_405, %dma_start3A_406] : memref<7x64x255xf32, #tpu.memory_space<vmem>> -> memref<1x64x255xf32, #tpu.memory_space<vmem>>
        %dma_start3A_408 = arith.constant 0 : i32
        %dma_start3A_409 = arith.constant 0 : i32
        %dma_start3A_410 = tpu.memref_slice %arg2[%sub3A_404, %dma_start3A_408, %dma_start3A_409] : memref<1024x64x255xf32, #tpu.memory_space<hbm>> -> memref<1x64x255xf32, #tpu.memory_space<hbm>>
        %dma_start3A_411 = tpu.memref_slice %arg6[%rem3A_399] : memref<7x!tpu.dma_semaphore, #tpu.memory_space<semaphore_mem>> -> memref<1x!tpu.dma_semaphore, #tpu.memory_space<semaphore_mem>>
        %dma_start3A_412 = tpu.memref_squeeze %dma_start3A_411 : memref<1x!tpu.dma_semaphore, #tpu.memory_space<semaphore_mem>> -> memref<!tpu.dma_semaphore, #tpu.memory_space<semaphore_mem>>
        %dma_start3A_413 = arith.constant 0 : i32
        %dma_start3A_414 = arith.constant 0 : i32
        %dma_start3A_415 = tpu.memref_slice %arg4[%rem3A_399, %dma_start3A_413, %dma_start3A_414] : memref<7x64x255xf32, #tpu.memory_space<vmem>> -> memref<1x64x255xf32, #tpu.memory_space<vmem>>
        %dma_start3A_416 = arith.constant 0 : i32
        %dma_start3A_417 = arith.constant 0 : i32
        %dma_start3A_418 = tpu.memref_slice %arg2[%sub3A_404, %dma_start3A_416, %dma_start3A_417] : memref<1024x64x255xf32, #tpu.memory_space<hbm>> -> memref<1x64x255xf32, #tpu.memory_space<hbm>>
        tpu.enqueue_dma source(%dma_start3A_418 : memref<1x64x255xf32, #tpu.memory_space<hbm>>) target(%dma_start3A_415 : memref<1x64x255xf32, #tpu.memory_space<vmem>>) target_semaphore(%dma_start3A_412 : memref<!tpu.dma_semaphore, #tpu.memory_space<semaphore_mem>>)
      } else {
      }
      %mul3A_146 = vector.broadcast %rem3A_127 : i32 to vector<16xi32>
      %mul3A_147 = arith.muli %mul3A_146, %broadcast_in_dim3A_3 : vector<16xi32>
      %add3A_148 = arith.constant 0 : i32
      %add3A_149 = vector.broadcast %add3A_148 : i32 to vector<16xi32>
      %add3A_150 = arith.addi %add3A_149, %iota3A : vector<16xi32>
      %mul3A_151 = arith.constant 4 : i32
      %mul3A_152 = vector.broadcast %mul3A_151 : i32 to vector<16xi32>
      %mul3A_153 = arith.muli %mul3A_152, %broadcast_in_dim3A_3 : vector<16xi32>
      %gather3A = tpu.vector_load_idx %arg4[%mul3A_147, %add3A_150, %mul3A_153] : memref<7x64x255xf32, #tpu.memory_space<vmem>>[vector<16xi32>, vector<16xi32>, vector<16xi32>], vector<16xf32>,
      %neg3A = arith.constant 0.000000e+00 : f32
      %neg3A_154 = vector.broadcast %neg3A : f32 to vector<16xf32>
      %neg3A_155 = arith.subf %neg3A_154, %gather3A : vector<16xf32>
      %exp3A = math.exp %neg3A_155 : vector<16xf32>
      %add3A_156 = arith.constant 1.000000e+00 : f32
      %add3A_157 = vector.broadcast %add3A_156 : f32 to vector<16xf32>
      %add3A_158 = arith.addf %add3A_157, %exp3A : vector<16xf32>
      %div3A = arith.constant 1.000000e+00 : f32
      %div3A_159 = vector.broadcast %div3A : f32 to vector<16xf32>
      %div3A_160 = arith.divf %div3A_159, %add3A_158 : vector<16xf32>
      %mul3A_161 = arith.mulf %div3A_160, %div3A_160 : vector<16xf32>
      %add3A_162 = arith.addf %scan3A_126, %mul3A_161 : vector<16xf32>
      %mul3A_163 = vector.broadcast %rem3A_127 : i32 to vector<16xi32>
      %mul3A_164 = arith.muli %mul3A_163, %broadcast_in_dim3A_3 : vector<16xi32>
      %add3A_165 = arith.constant 16 : i32
      %add3A_166 = vector.broadcast %add3A_165 : i32 to vector<16xi32>
      %add3A_167 = arith.addi %add3A_166, %iota3A : vector<16xi32>
      %mul3A_168 = arith.constant 4 : i32
      %mul3A_169 = vector.broadcast %mul3A_168 : i32 to vector<16xi32>
      %mul3A_170 = arith.muli %mul3A_169, %broadcast_in_dim3A_3 : vector<16xi32>
      %gather3A_171 = tpu.vector_load_idx %arg4[%mul3A_164, %add3A_167, %mul3A_170] : memref<7x64x255xf32, #tpu.memory_space<vmem>>[vector<16xi32>, vector<16xi32>, vector<16xi32>], vector<16xf32>,
      %neg3A_172 = arith.constant 0.000000e+00 : f32
      %neg3A_173 = vector.broadcast %neg3A_172 : f32 to vector<16xf32>
      %neg3A_174 = arith.subf %neg3A_173, %gather3A_171 : vector<16xf32>
      %exp3A_175 = math.exp %neg3A_174 : vector<16xf32>
      %add3A_176 = arith.constant 1.000000e+00 : f32
      %add3A_177 = vector.broadcast %add3A_176 : f32 to vector<16xf32>
      %add3A_178 = arith.addf %add3A_177, %exp3A_175 : vector<16xf32>
      %div3A_179 = arith.constant 1.000000e+00 : f32
      %div3A_180 = vector.broadcast %div3A_179 : f32 to vector<16xf32>
      %div3A_181 = arith.divf %div3A_180, %add3A_178 : vector<16xf32>
      %mul3A_182 = arith.mulf %div3A_181, %div3A_181 : vector<16xf32>
      %add3A_183 = arith.addf %add3A_162, %mul3A_182 : vector<16xf32>
      %mul3A_184 = vector.broadcast %rem3A_127 : i32 to vector<16xi32>
      %mul3A_185 = arith.muli %mul3A_184, %broadcast_in_dim3A_3 : vector<16xi32>
      %add3A_186 = arith.constant 32 : i32
      %add3A_187 = vector.broadcast %add3A_186 : i32 to vector<16xi32>
      %add3A_188 = arith.addi %add3A_187, %iota3A : vector<16xi32>
      %mul3A_189 = arith.constant 4 : i32
      %mul3A_190 = vector.broadcast %mul3A_189 : i32 to vector<16xi32>
      %mul3A_191 = arith.muli %mul3A_190, %broadcast_in_dim3A_3 : vector<16xi32>
      %gather3A_192 = tpu.vector_load_idx %arg4[%mul3A_185, %add3A_188, %mul3A_191] : memref<7x64x255xf32, #tpu.memory_space<vmem>>[vector<16xi32>, vector<16xi32>, vector<16xi32>], vector<16xf32>,
      %neg3A_193 = arith.constant 0.000000e+00 : f32
      %neg3A_194 = vector.broadcast %neg3A_193 : f32 to vector<16xf32>
      %neg3A_195 = arith.subf %neg3A_194, %gather3A_192 : vector<16xf32>
      %exp3A_196 = math.exp %neg3A_195 : vector<16xf32>
      %add3A_197 = arith.constant 1.000000e+00 : f32
      %add3A_198 = vector.broadcast %add3A_197 : f32 to vector<16xf32>
      %add3A_199 = arith.addf %add3A_198, %exp3A_196 : vector<16xf32>
      %div3A_200 = arith.constant 1.000000e+00 : f32
      %div3A_201 = vector.broadcast %div3A_200 : f32 to vector<16xf32>
      %div3A_202 = arith.divf %div3A_201, %add3A_199 : vector<16xf32>
      %mul3A_203 = arith.mulf %div3A_202, %div3A_202 : vector<16xf32>
      %add3A_204 = arith.addf %add3A_183, %mul3A_203 : vector<16xf32>
      %mul3A_205 = vector.broadcast %rem3A_127 : i32 to vector<16xi32>
      %mul3A_206 = arith.muli %mul3A_205, %broadcast_in_dim3A_3 : vector<16xi32>
      %add3A_207 = arith.constant 48 : i32
      %add3A_208 = vector.broadcast %add3A_207 : i32 to vector<16xi32>
      %add3A_209 = arith.addi %add3A_208, %iota3A : vector<16xi32>
      %mul3A_210 = arith.constant 4 : i32
      %mul3A_211 = vector.broadcast %mul3A_210 : i32 to vector<16xi32>
      %mul3A_212 = arith.muli %mul3A_211, %broadcast_in_dim3A_3 : vector<16xi32>
      %gather3A_213 = tpu.vector_load_idx %arg4[%mul3A_206, %add3A_209, %mul3A_212] : memref<7x64x255xf32, #tpu.memory_space<vmem>>[vector<16xi32>, vector<16xi32>, vector<16xi32>], vector<16xf32>,
      %neg3A_214 = arith.constant 0.000000e+00 : f32
      %neg3A_215 = vector.broadcast %neg3A_214 : f32 to vector<16xf32>
      %neg3A_216 = arith.subf %neg3A_215, %gather3A_213 : vector<16xf32>
      %exp3A_217 = math.exp %neg3A_216 : vector<16xf32>
      %add3A_218 = arith.constant 1.000000e+00 : f32
      %add3A_219 = vector.broadcast %add3A_218 : f32 to vector<16xf32>
      %add3A_220 = arith.addf %add3A_219, %exp3A_217 : vector<16xf32>
      %div3A_221 = arith.constant 1.000000e+00 : f32
      %div3A_222 = vector.broadcast %div3A_221 : f32 to vector<16xf32>
      %div3A_223 = arith.divf %div3A_222, %add3A_220 : vector<16xf32>
      %mul3A_224 = arith.mulf %div3A_223, %div3A_223 : vector<16xf32>
      %add3A_225 = arith.addf %add3A_204, %mul3A_224 : vector<16xf32>
      %mul3A_226 = vector.broadcast %rem3A_127 : i32 to vector<16xi32>
      %mul3A_227 = arith.muli %mul3A_226, %broadcast_in_dim3A_3 : vector<16xi32>
      %add3A_228 = arith.constant 0 : i32
      %add3A_229 = vector.broadcast %add3A_228 : i32 to vector<16xi32>
      %add3A_230 = arith.addi %add3A_229, %iota3A : vector<16xi32>
      %mul3A_231 = arith.constant 89 : i32
      %mul3A_232 = vector.broadcast %mul3A_231 : i32 to vector<16xi32>
      %mul3A_233 = arith.muli %mul3A_232, %broadcast_in_dim3A_3 : vector<16xi32>
      %gather3A_234 = tpu.vector_load_idx %arg4[%mul3A_227, %add3A_230, %mul3A_233] : memref<7x64x255xf32, #tpu.memory_space<vmem>>[vector<16xi32>, vector<16xi32>, vector<16xi32>], vector<16xf32>,
      %neg3A_235 = arith.constant 0.000000e+00 : f32
      %neg3A_236 = vector.broadcast %neg3A_235 : f32 to vector<16xf32>
      %neg3A_237 = arith.subf %neg3A_236, %gather3A_234 : vector<16xf32>
      %exp3A_238 = math.exp %neg3A_237 : vector<16xf32>
      %add3A_239 = arith.constant 1.000000e+00 : f32
      %add3A_240 = vector.broadcast %add3A_239 : f32 to vector<16xf32>
      %add3A_241 = arith.addf %add3A_240, %exp3A_238 : vector<16xf32>
      %div3A_242 = arith.constant 1.000000e+00 : f32
      %div3A_243 = vector.broadcast %div3A_242 : f32 to vector<16xf32>
      %div3A_244 = arith.divf %div3A_243, %add3A_241 : vector<16xf32>
      %mul3A_245 = arith.mulf %div3A_244, %div3A_244 : vector<16xf32>
      %add3A_246 = arith.addf %add3A_225, %mul3A_245 : vector<16xf32>
      %mul3A_247 = vector.broadcast %rem3A_127 : i32 to vector<16xi32>
      %mul3A_248 = arith.muli %mul3A_247, %broadcast_in_dim3A_3 : vector<16xi32>
      %add3A_249 = arith.constant 16 : i32
      %add3A_250 = vector.broadcast %add3A_249 : i32 to vector<16xi32>
      %add3A_251 = arith.addi %add3A_250, %iota3A : vector<16xi32>
      %mul3A_252 = arith.constant 89 : i32
      %mul3A_253 = vector.broadcast %mul3A_252 : i32 to vector<16xi32>
      %mul3A_254 = arith.muli %mul3A_253, %broadcast_in_dim3A_3 : vector<16xi32>
      %gather3A_255 = tpu.vector_load_idx %arg4[%mul3A_248, %add3A_251, %mul3A_254] : memref<7x64x255xf32, #tpu.memory_space<vmem>>[vector<16xi32>, vector<16xi32>, vector<16xi32>], vector<16xf32>,
      %neg3A_256 = arith.constant 0.000000e+00 : f32
      %neg3A_257 = vector.broadcast %neg3A_256 : f32 to vector<16xf32>
      %neg3A_258 = arith.subf %neg3A_257, %gather3A_255 : vector<16xf32>
      %exp3A_259 = math.exp %neg3A_258 : vector<16xf32>
      %add3A_260 = arith.constant 1.000000e+00 : f32
      %add3A_261 = vector.broadcast %add3A_260 : f32 to vector<16xf32>
      %add3A_262 = arith.addf %add3A_261, %exp3A_259 : vector<16xf32>
      %div3A_263 = arith.constant 1.000000e+00 : f32
      %div3A_264 = vector.broadcast %div3A_263 : f32 to vector<16xf32>
      %div3A_265 = arith.divf %div3A_264, %add3A_262 : vector<16xf32>
      %mul3A_266 = arith.mulf %div3A_265, %div3A_265 : vector<16xf32>
      %add3A_267 = arith.addf %add3A_246, %mul3A_266 : vector<16xf32>
      %mul3A_268 = vector.broadcast %rem3A_127 : i32 to vector<16xi32>
      %mul3A_269 = arith.muli %mul3A_268, %broadcast_in_dim3A_3 : vector<16xi32>
      %add3A_270 = arith.constant 32 : i32
      %add3A_271 = vector.broadcast %add3A_270 : i32 to vector<16xi32>
      %add3A_272 = arith.addi %add3A_271, %iota3A : vector<16xi32>
      %mul3A_273 = arith.constant 89 : i32
      %mul3A_274 = vector.broadcast %mul3A_273 : i32 to vector<16xi32>
      %mul3A_275 = arith.muli %mul3A_274, %broadcast_in_dim3A_3 : vector<16xi32>
      %gather3A_276 = tpu.vector_load_idx %arg4[%mul3A_269, %add3A_272, %mul3A_275] : memref<7x64x255xf32, #tpu.memory_space<vmem>>[vector<16xi32>, vector<16xi32>, vector<16xi32>], vector<16xf32>,
      %neg3A_277 = arith.constant 0.000000e+00 : f32
      %neg3A_278 = vector.broadcast %neg3A_277 : f32 to vector<16xf32>
      %neg3A_279 = arith.subf %neg3A_278, %gather3A_276 : vector<16xf32>
      %exp3A_280 = math.exp %neg3A_279 : vector<16xf32>
      %add3A_281 = arith.constant 1.000000e+00 : f32
      %add3A_282 = vector.broadcast %add3A_281 : f32 to vector<16xf32>
      %add3A_283 = arith.addf %add3A_282, %exp3A_280 : vector<16xf32>
      %div3A_284 = arith.constant 1.000000e+00 : f32
      %div3A_285 = vector.broadcast %div3A_284 : f32 to vector<16xf32>
      %div3A_286 = arith.divf %div3A_285, %add3A_283 : vector<16xf32>
      %mul3A_287 = arith.mulf %div3A_286, %div3A_286 : vector<16xf32>
      %add3A_288 = arith.addf %add3A_267, %mul3A_287 : vector<16xf32>
      %mul3A_289 = vector.broadcast %rem3A_127 : i32 to vector<16xi32>
      %mul3A_290 = arith.muli %mul3A_289, %broadcast_in_dim3A_3 : vector<16xi32>
      %add3A_291 = arith.constant 48 : i32
      %add3A_292 = vector.broadcast %add3A_291 : i32 to vector<16xi32>
      %add3A_293 = arith.addi %add3A_292, %iota3A : vector<16xi32>
      %mul3A_294 = arith.constant 89 : i32
      %mul3A_295 = vector.broadcast %mul3A_294 : i32 to vector<16xi32>
      %mul3A_296 = arith.muli %mul3A_295, %broadcast_in_dim3A_3 : vector<16xi32>
      %gather3A_297 = tpu.vector_load_idx %arg4[%mul3A_290, %add3A_293, %mul3A_296] : memref<7x64x255xf32, #tpu.memory_space<vmem>>[vector<16xi32>, vector<16xi32>, vector<16xi32>], vector<16xf32>,
      %neg3A_298 = arith.constant 0.000000e+00 : f32
      %neg3A_299 = vector.broadcast %neg3A_298 : f32 to vector<16xf32>
      %neg3A_300 = arith.subf %neg3A_299, %gather3A_297 : vector<16xf32>
      %exp3A_301 = math.exp %neg3A_300 : vector<16xf32>
      %add3A_302 = arith.constant 1.000000e+00 : f32
      %add3A_303 = vector.broadcast %add3A_302 : f32 to vector<16xf32>
      %add3A_304 = arith.addf %add3A_303, %exp3A_301 : vector<16xf32>
      %div3A_305 = arith.constant 1.000000e+00 : f32
      %div3A_306 = vector.broadcast %div3A_305 : f32 to vector<16xf32>
      %div3A_307 = arith.divf %div3A_306, %add3A_304 : vector<16xf32>
      %mul3A_308 = arith.mulf %div3A_307, %div3A_307 : vector<16xf32>
      %add3A_309 = arith.addf %add3A_288, %mul3A_308 : vector<16xf32>
      %mul3A_310 = vector.broadcast %rem3A_127 : i32 to vector<16xi32>
      %mul3A_311 = arith.muli %mul3A_310, %broadcast_in_dim3A_3 : vector<16xi32>
      %add3A_312 = arith.constant 0 : i32
      %add3A_313 = vector.broadcast %add3A_312 : i32 to vector<16xi32>
      %add3A_314 = arith.addi %add3A_313, %iota3A : vector<16xi32>
      %mul3A_315 = arith.constant 174 : i32
      %mul3A_316 = vector.broadcast %mul3A_315 : i32 to vector<16xi32>
      %mul3A_317 = arith.muli %mul3A_316, %broadcast_in_dim3A_3 : vector<16xi32>
      %gather3A_318 = tpu.vector_load_idx %arg4[%mul3A_311, %add3A_314, %mul3A_317] : memref<7x64x255xf32, #tpu.memory_space<vmem>>[vector<16xi32>, vector<16xi32>, vector<16xi32>], vector<16xf32>,
      %neg3A_319 = arith.constant 0.000000e+00 : f32
      %neg3A_320 = vector.broadcast %neg3A_319 : f32 to vector<16xf32>
      %neg3A_321 = arith.subf %neg3A_320, %gather3A_318 : vector<16xf32>
      %exp3A_322 = math.exp %neg3A_321 : vector<16xf32>
      %add3A_323 = arith.constant 1.000000e+00 : f32
      %add3A_324 = vector.broadcast %add3A_323 : f32 to vector<16xf32>
      %add3A_325 = arith.addf %add3A_324, %exp3A_322 : vector<16xf32>
      %div3A_326 = arith.constant 1.000000e+00 : f32
      %div3A_327 = vector.broadcast %div3A_326 : f32 to vector<16xf32>
      %div3A_328 = arith.divf %div3A_327, %add3A_325 : vector<16xf32>
      %mul3A_329 = arith.mulf %div3A_328, %div3A_328 : vector<16xf32>
      %add3A_330 = arith.addf %add3A_309, %mul3A_329 : vector<16xf32>
      %mul3A_331 = vector.broadcast %rem3A_127 : i32 to vector<16xi32>
      %mul3A_332 = arith.muli %mul3A_331, %broadcast_in_dim3A_3 : vector<16xi32>
      %add3A_333 = arith.constant 16 : i32
      %add3A_334 = vector.broadcast %add3A_333 : i32 to vector<16xi32>
      %add3A_335 = arith.addi %add3A_334, %iota3A : vector<16xi32>
      %mul3A_336 = arith.constant 174 : i32
      %mul3A_337 = vector.broadcast %mul3A_336 : i32 to vector<16xi32>
      %mul3A_338 = arith.muli %mul3A_337, %broadcast_in_dim3A_3 : vector<16xi32>
      %gather3A_339 = tpu.vector_load_idx %arg4[%mul3A_332, %add3A_335, %mul3A_338] : memref<7x64x255xf32, #tpu.memory_space<vmem>>[vector<16xi32>, vector<16xi32>, vector<16xi32>], vector<16xf32>,
      %neg3A_340 = arith.constant 0.000000e+00 : f32
      %neg3A_341 = vector.broadcast %neg3A_340 : f32 to vector<16xf32>
      %neg3A_342 = arith.subf %neg3A_341, %gather3A_339 : vector<16xf32>
      %exp3A_343 = math.exp %neg3A_342 : vector<16xf32>
      %add3A_344 = arith.constant 1.000000e+00 : f32
      %add3A_345 = vector.broadcast %add3A_344 : f32 to vector<16xf32>
      %add3A_346 = arith.addf %add3A_345, %exp3A_343 : vector<16xf32>
      %div3A_347 = arith.constant 1.000000e+00 : f32
      %div3A_348 = vector.broadcast %div3A_347 : f32 to vector<16xf32>
      %div3A_349 = arith.divf %div3A_348, %add3A_346 : vector<16xf32>
      %mul3A_350 = arith.mulf %div3A_349, %div3A_349 : vector<16xf32>
      %add3A_351 = arith.addf %add3A_330, %mul3A_350 : vector<16xf32>
      %mul3A_352 = vector.broadcast %rem3A_127 : i32 to vector<16xi32>
      %mul3A_353 = arith.muli %mul3A_352, %broadcast_in_dim3A_3 : vector<16xi32>
      %add3A_354 = arith.constant 32 : i32
      %add3A_355 = vector.broadcast %add3A_354 : i32 to vector<16xi32>
      %add3A_356 = arith.addi %add3A_355, %iota3A : vector<16xi32>
      %mul3A_357 = arith.constant 174 : i32
      %mul3A_358 = vector.broadcast %mul3A_357 : i32 to vector<16xi32>
      %mul3A_359 = arith.muli %mul3A_358, %broadcast_in_dim3A_3 : vector<16xi32>
      %gather3A_360 = tpu.vector_load_idx %arg4[%mul3A_353, %add3A_356, %mul3A_359] : memref<7x64x255xf32, #tpu.memory_space<vmem>>[vector<16xi32>, vector<16xi32>, vector<16xi32>], vector<16xf32>,
      %neg3A_361 = arith.constant 0.000000e+00 : f32
      %neg3A_362 = vector.broadcast %neg3A_361 : f32 to vector<16xf32>
      %neg3A_363 = arith.subf %neg3A_362, %gather3A_360 : vector<16xf32>
      %exp3A_364 = math.exp %neg3A_363 : vector<16xf32>
      %add3A_365 = arith.constant 1.000000e+00 : f32
      %add3A_366 = vector.broadcast %add3A_365 : f32 to vector<16xf32>
      %add3A_367 = arith.addf %add3A_366, %exp3A_364 : vector<16xf32>
      %div3A_368 = arith.constant 1.000000e+00 : f32
      %div3A_369 = vector.broadcast %div3A_368 : f32 to vector<16xf32>
      %div3A_370 = arith.divf %div3A_369, %add3A_367 : vector<16xf32>
      %mul3A_371 = arith.mulf %div3A_370, %div3A_370 : vector<16xf32>
      %add3A_372 = arith.addf %add3A_351, %mul3A_371 : vector<16xf32>
      %mul3A_373 = vector.broadcast %rem3A_127 : i32 to vector<16xi32>
      %mul3A_374 = arith.muli %mul3A_373, %broadcast_in_dim3A_3 : vector<16xi32>
      %add3A_375 = arith.constant 48 : i32
      %add3A_376 = vector.broadcast %add3A_375 : i32 to vector<16xi32>
      %add3A_377 = arith.addi %add3A_376, %iota3A : vector<16xi32>
      %mul3A_378 = arith.constant 174 : i32
      %mul3A_379 = vector.broadcast %mul3A_378 : i32 to vector<16xi32>
      %mul3A_380 = arith.muli %mul3A_379, %broadcast_in_dim3A_3 : vector<16xi32>
      %gather3A_381 = tpu.vector_load_idx %arg4[%mul3A_374, %add3A_377, %mul3A_380] : memref<7x64x255xf32, #tpu.memory_space<vmem>>[vector<16xi32>, vector<16xi32>, vector<16xi32>], vector<16xf32>,
      %neg3A_382 = arith.constant 0.000000e+00 : f32
      %neg3A_383 = vector.broadcast %neg3A_382 : f32 to vector<16xf32>
      %neg3A_384 = arith.subf %neg3A_383, %gather3A_381 : vector<16xf32>
      %exp3A_385 = math.exp %neg3A_384 : vector<16xf32>
      %add3A_386 = arith.constant 1.000000e+00 : f32
      %add3A_387 = vector.broadcast %add3A_386 : f32 to vector<16xf32>
      %add3A_388 = arith.addf %add3A_387, %exp3A_385 : vector<16xf32>
      %div3A_389 = arith.constant 1.000000e+00 : f32
      %div3A_390 = vector.broadcast %div3A_389 : f32 to vector<16xf32>
      %div3A_391 = arith.divf %div3A_390, %add3A_388 : vector<16xf32>
      %mul3A_392 = arith.mulf %div3A_391, %div3A_391 : vector<16xf32>
      %add3A_393 = arith.addf %add3A_372, %mul3A_392 : vector<16xf32>
      scf.yield %add3A_393 : vector<16xf32>
    }
    %scan3A_123 = arith.constant 32 : i32
    %swap3A = arith.constant 0 : index
    %swap3A_124 = tpu.vector_load %arg5[%swap3A] {strides = array<i32>} : memref<16xf32, #tpu.memory_space<vmem>>, vector<16xf32>,
    tpu.vector_store %arg5[%swap3A], %scan3A_122 {strides = array<i32>} : memref<16xf32, #tpu.memory_space<vmem>>, vector<16xf32>,
    "tpu.region"() ({
      %run_scoped3A = tpu.sem_alloc : memref<!tpu.dma_semaphore, #tpu.memory_space<semaphore_mem>>
      %dma_start3A_125 = arith.constant 0 : i32
      %dma_start3A_126 = tpu.memref_slice %arg3[%add3A, %dma_start3A_125] : memref<32x16xf32, #tpu.memory_space<hbm>> -> memref<1x16xf32, #tpu.memory_space<hbm>>
      %dma_start3A_127 = tpu.memref_squeeze %dma_start3A_126 : memref<1x16xf32, #tpu.memory_space<hbm>> -> memref<16xf32, #tpu.memory_space<hbm>>
      %dma_start3A_128 = arith.constant 0 : i32
      %dma_start3A_129 = tpu.memref_slice %arg3[%add3A, %dma_start3A_128] : memref<32x16xf32, #tpu.memory_space<hbm>> -> memref<1x16xf32, #tpu.memory_space<hbm>>
      %dma_start3A_130 = tpu.memref_squeeze %dma_start3A_129 : memref<1x16xf32, #tpu.memory_space<hbm>> -> memref<16xf32, #tpu.memory_space<hbm>>
      tpu.enqueue_dma source(%arg5 : memref<16xf32, #tpu.memory_space<vmem>>) target(%dma_start3A_130 : memref<16xf32, #tpu.memory_space<hbm>>) target_semaphore(%run_scoped3A : memref<!tpu.dma_semaphore, #tpu.memory_space<semaphore_mem>>)
      %dma_wait3A = arith.constant 0 : i32
      %dma_wait3A_131 = tpu.memref_slice %arg3[%add3A, %dma_wait3A] : memref<32x16xf32, #tpu.memory_space<hbm>> -> memref<1x16xf32, #tpu.memory_space<hbm>>
      %dma_wait3A_132 = tpu.memref_squeeze %dma_wait3A_131 : memref<1x16xf32, #tpu.memory_space<hbm>> -> memref<16xf32, #tpu.memory_space<hbm>>
      %dma_wait3A_133 = arith.constant 0 : i32
      %dma_wait3A_134 = tpu.memref_slice %arg3[%add3A, %dma_wait3A_133] : memref<32x16xf32, #tpu.memory_space<hbm>> -> memref<1x16xf32, #tpu.memory_space<hbm>>
      %dma_wait3A_135 = tpu.memref_squeeze %dma_wait3A_134 : memref<1x16xf32, #tpu.memory_space<hbm>> -> memref<16xf32, #tpu.memory_space<hbm>>
      tpu.wait_dma2 semaphore(%run_scoped3A : memref<!tpu.dma_semaphore, #tpu.memory_space<semaphore_mem>>) src(%arg5 : memref<16xf32, #tpu.memory_space<vmem>>) dst(%dma_wait3A_135 : memref<16xf32, #tpu.memory_space<hbm>>)
      tpu.yield
    }) : () -> ()
    return
  }
}

</mosaic_0001>

<sc_bundles>
// kernel: kernel.3.cloned.1.call-start
scs
__scs_entry_jumppad:
0x0: {  	(pc) =	sbr.rel $0x88, $3  }
0x1: {  	(tag) =	ssettag $0x0;
	lr =	simm.s32 $0x1  }
0x2: {  	[smem:$0x3FA0] =	sst lr;
	_ =	strace $0xD0000000  }
0x3: {  	_ = 	snop  }
0x4: {  	_ = 	snop  }
0x5: {  	_ = 	snop  }
0x6: {  	_ = 	snop  }
0x7: {  	_ = 	snop  }
__scs_overlays_trampoline_lowered:
0x8: {  	[smem:$0x3FAF] =	sst s0  }
0x9: {  	[smem:$0x3FB0] =	sst s1  }
0xa: {  	[smem:$0x3FB1] =	sst s2  }
0xb: {  	[smem:$0x3FB2] =	sst s3  }
0xc: {  	[smem:$0x3FB3] =	sst s4  }
0xd: {  	[smem:$0x3FB4] =	sst s5  }
0xe: {  	[smem:$0x3FB5] =	sst s6  }
0xf: {  	[smem:$0x3FB6] =	sst s7  }
0x10: {  	[smem:$0x3FB7] =	sst s8  }
0x11: {  	[smem:$0x3FB8] =	sst s9;
	s0 =	simm.s32 @!p0 $0x0  }
0x12: {  	s1 =	sld [smem:$0x3F9E];
	s0 =	simm.s32 @p0 $0x1  }
0x13: {  	[smem:$0x3FB9] =	sst s0;
	s0 =	simm.s32 @!p1 $0x0  }
0x14: {  	s2 =	sld [smem:$0x3F9D];
	s0 =	simm.s32 @p1 $0x1  }
0x15: {  	[smem:$0x3FBA] =	sst s0;
	s0 =	simm.s32 @!p2 $0x0  }
0x16: {  	s3 =	sld [smem:$0x3FDB];
	s0 =	simm.s32 @p2 $0x1  }
0x17: {  	s4 =	simm.s32 $0x1BF5;
	[smem:$0x3FBC] =	sst s0  }
0x18: {  	s0 =	sld [smem:$0x3F9F];
	_ =	swait.ge [sflag:s4], $0x0  }
0x19: {  	s7 =	sld [smem:$0x3FA0]  }
0x1a: {  	s8 =	sadd.s32 $0xFFFFE003, lr  }
0x1b: {  	s9 =	sadd.s32 $0xFFFFFEF7, lr;
	s5 =	simm.s32 $0xFFFFFFFF;
	p2 =	slt.u32 s8, $0xFFFFF086  }
0x1c: {  	p1 =	slt.u32 s9, $0xF7A;
	s5 =	simm.s32 @!p2 $0x0  }
0x1d: {  	s5 =	simm.s32 @p1 $0x1;
	p0 =	seq.s32 s7, s2  }
0x1e: {  	s7 =	smul.u32 @!p0 $0xF7A, s2;
	p2 =	seq.s32 @!p0 s5, $0x0  }
0x1f: {  	s9 =	smul.u32 $0xF7A, s1;
	s8 =	simm.s32 @!p0 $0x1BF5;
	p2 =	por !p2, p0  }
0x20: {  	[sflag:s8] =	ssyncset.s32 @!p0 $0xFFFFF086;
	s6 =	sadd.s32 @!p0 s3, s7;
	s7 =	simm.s32 @!p0 $0x108  }
0x21: {  	s3 =	sadd.s32 s3, s9;
	s6 =	sadd.s32 @!p0 $0x88, s6;
	s7 =	simm.s32 @p2 $0x1082  }
0x22: {  	[simem:s7], [sflag:s8] =	dma.local @!p0 [hbm:s6], $0xF7A  }
0x23: {  	s9 =	sor.u32 $0xD0000000, s2;
	s6 =	simm.s32 $0x108;
	_ =	swait.ge @!p0 [sflag:s8], $0x0  }
0x24: {  	s3 =	sadd.s32 $0x88, s3;
	s6 =	simm.s32 @!p1 $0x1082;
	[sflag:s4] =	ssyncset.s32 $0xFFFFF086  }
0x25: {  	[simem:s6], [sflag:s4] =	dma.local [hbm:s3], $0xF7A  }
0x26: {  	[smem:$0x3FA0] =	sst s1;
	(tag) =	ssettag s2;
	_ =	strace s9  }
0x27: {  	s1 =	sld [smem:$0x3FB0]  }
0x28: {  	s2 =	sld [smem:$0x3FB1]  }
0x29: {  	s4 =	sld [smem:$0x3FB3]  }
0x2a: {  	p0 =	seq.s32 s5, $0x0;
	s5 =	sld [smem:$0x3FB4]  }
0x2b: {  	s6 =	sld [smem:$0x3FB5]  }
0x2c: {  	s7 =	sld [smem:$0x3FB6]  }
0x2d: {  	s3 =	simm.s32 $0x108;
	s8 =	sld [smem:$0x3FB7]  }
0x2e: {  	s3 =	simm.s32 @!p0 $0x1082;
	s9 =	sld [smem:$0x3FB8]  }
0x2f: {  	lr =	sadd.s32 s0, s3;
	s0 =	sld [smem:$0x3FAF]  }
0x30: {  	s3 =	sld [smem:$0x3FB2]  }
0x31: {  	[smem:$0x3FBB] =	sst s10  }
0x32: {  	s10 =	sld [smem:$0x3FB9];
	_ =	sdelay $0x3  }
0x33: {  	p0 =	seq.s32 s10, $0x1;
	s10 =	sld [smem:$0x3FBB];
	_ =	sdelay $0x3  }
0x34: {  	[smem:$0x3FBB] =	sst s10  }
0x35: {  	s10 =	sld [smem:$0x3FBA];
	_ =	sdelay $0x3  }
0x36: {  	p1 =	seq.s32 s10, $0x1;
	s10 =	sld [smem:$0x3FBB];
	_ =	sdelay $0x3  }
0x37: {  	[smem:$0x3FBB] =	sst s10  }
0x38: {  	s10 =	sld [smem:$0x3FBC]  }
0x39: {  	_ = 	snop;
	(pc) =	sbr.ind lr, $3  }
0x3a: {  	_ = 	snop  }
0x3b: {  	_ = 	snop  }
0x3c: {  	p2 =	seq.s32 s10, $0x1;
	s10 =	sld [smem:$0x3FBB]  }
0x3d: {  	_ =	shalt  }
0x3e: {  	_ =	shalt  }
0x3f: {  	_ =	shalt  }
0x40: {  	_ =	shalt  }
0x41: {  	_ =	shalt  }
0x42: {  	_ =	shalt  }
0x43: {  	_ =	shalt  }
0x44: {  	_ =	shalt  }
0x45: {  	_ =	shalt  }
0x46: {  	_ =	shalt  }
0x47: {  	_ =	shalt  }
0x48: {  	_ =	shalt  }
0x49: {  	_ =	shalt  }
0x4a: {  	_ =	shalt  }
0x4b: {  	_ =	shalt  }
0x4c: {  	_ =	shalt  }
0x4d: {  	_ =	shalt  }
0x4e: {  	_ =	shalt  }
0x4f: {  	_ =	shalt  }
0x50: {  	_ =	shalt  }
0x51: {  	_ =	shalt  }
0x52: {  	_ =	shalt  }
0x53: {  	_ =	shalt  }
0x54: {  	_ =	shalt  }
0x55: {  	_ =	shalt  }
0x56: {  	_ =	shalt  }
0x57: {  	_ =	shalt  }
0x58: {  	_ =	shalt  }
0x59: {  	_ =	shalt  }
0x5a: {  	_ =	shalt  }
0x5b: {  	_ =	shalt  }
0x5c: {  	_ =	shalt  }
0x5d: {  	_ =	shalt  }
0x5e: {  	_ =	shalt  }
0x5f: {  	_ =	shalt  }
0x60: {  	_ =	shalt  }
0x61: {  	_ =	shalt  }
0x62: {  	_ =	shalt  }
0x63: {  	_ =	shalt  }
0x64: {  	_ =	shalt  }
0x65: {  	_ =	shalt  }
0x66: {  	_ =	shalt  }
0x67: {  	_ =	shalt  }
0x68: {  	_ =	shalt  }
0x69: {  	_ =	shalt  }
0x6a: {  	_ =	shalt  }
0x6b: {  	_ =	shalt  }
0x6c: {  	_ =	shalt  }
0x6d: {  	_ =	shalt  }
0x6e: {  	_ =	shalt  }
0x6f: {  	_ =	shalt  }
0x70: {  	_ =	shalt  }
0x71: {  	_ =	shalt  }
0x72: {  	_ =	shalt  }
0x73: {  	_ =	shalt  }
0x74: {  	_ =	shalt  }
0x75: {  	_ =	shalt  }
0x76: {  	_ =	shalt  }
0x77: {  	_ =	shalt  }
0x78: {  	_ =	shalt  }
0x79: {  	_ =	shalt  }
0x7a: {  	_ =	shalt  }
0x7b: {  	_ =	shalt  }
0x7c: {  	_ =	shalt  }
0x7d: {  	_ =	shalt  }
0x7e: {  	_ =	shalt  }
0x7f: {  	_ =	shalt  }
0x80: {  	_ =	shalt  }
0x81: {  	_ =	shalt  }
0x82: {  	_ =	shalt  }
0x83: {  	_ =	shalt  }
0x84: {  	_ =	shalt  }
0x85: {  	_ =	shalt  }
0x86: {  	_ =	shalt  }
0x87: {  	_ =	shalt  }
.Lfunc_end0:
.L_simem_size_0:
called_computation_lowered:
.L_overlay_start_0:
0x88: {  	s2 =	sld [smem:$0x3FD9]  }
0x89: {  	s3 =	sld [smem:$0x3FFE];
	_ =	sdelay $0x1  }
0x8a: {  	s1 =	srdreg.scid  }
0x8b: {  	s0 =	sand.u32 $0x1, s1  }
0x8c: {  	s17 =	sshll.u32 s0, $0xA;
	s2 =	sadd.s32 s3, s2  }
0x8d: {  	s2 =	sadd.s32 s2, s17  }
0x8e: {  	[smem:$0x3FC7] =	sst s2  }
0x8f: {  	_ = 	snop  }
0x90: {  	s2 =	sld [smem:$0x3FC9];
	(tm) =	ssettm $0x1  }
0x91: {  	s18 =	sld [smem:$0x3FFB];
	_ =	sdelay $0x3  }
0x92: {  	_ =	strace s18  }
0x93: {  	s3 =	sld [smem:$0x3FFC];
	_ =	sdelay $0x3  }
0x94: {  	_ =	strace s3  }
0x95: {  	s3 =	sld [smem:$0x3FFD];
	_ =	sdelay $0x3  }
0x96: {  	_ =	strace s3  }
0x97: {  	_ =	strace $0x8FFFFFFF  }
0x98: {  	s19 =	sld [smem:$0x3FDB];
	_ =	sdelay $0x1  }
0x99: {  	s4 =	simm.s32 $_scs_section_size  }
0x9a: {  	s5 =	simm.s32 $_size__tile_overlayer_lowered;
	s6 =	simm.s32 $_tile_overlayer_lowered  }
0x9b: {  	s22 =	simm.s32 $0x1BFF;
	s21 =	sshll.u32 s6, $0x1;
	s3 =	sadd.s32 s4, s19  }
0x9c: {  	s7 =	simm.s32 $0x0;
	s20 =	sshll.u32 s5, $0x1;
	s5 =	sadd.s32 s21, s3  }
0x9d: {  	[timem:s7], [sflag:s22] =	dma.local [hbm:s5], s20  }
0x9e: {  	_ =	swait.ge [sflag:s22], s20  }
0x9f: {  	s4 =	ssub.s32 $0x0, s20;
	[sflag:s22] =	ssyncset.done $0x0  }
0xa0: {  	[sflag:s22] =	ssyncadd.s32 s4;
	_ =	sdelay $0x1  }
0xa1: {  	s23 =	simm.s32 $0x1B8B  }
0xa2: {  	_ =	swait.ge [sflag:s23], $0x1  }
0xa3: {  	[sflag:s23] =	ssyncset.done $0x0  }
0xa4: {  	s25 =	simm.s32 $0x1B8E;
	s24 =	sld [smem:$0x3FFE];
	[sflag:s23] =	ssyncadd.s32 $0xFFFFFFFF  }
0xa5: {  	s26 =	simm.s32 $execute0_lowered;
	[smem:$0x3FD2] =	sst s25  }
0xa6: {  	s5 =	sshll.u32 s26, $0x1;
	_ =	strace $0x80000046;
	[dreg:$0x1] =	wrdreg $0xFFFFFFFF  }
0xa7: {  	s28 =	simm.s32 $_size_execute0_lowered;
	s3 =	sadd.s32 s3, s5;
	[dreg:$0x0] =	wrdreg $0x0  }
0xa8: {  	s5 =	sshll.u32 s28, $0x1;
	[dreg:$0x2] =	wrdreg s3  }
0xa9: {  	[dreg:$0x3] =	wrdreg s5  }
0xaa: {  	[dreg:$0x4] =	wrdreg $0xC0  }
0xab: {  	_ =	task [dreg:s7], $0x5FFFF  }
0xac: {  	[dreg:$0x1] =	wrdreg $0xFFFFFFFF  }
0xad: {  	[dreg:$0x0] =	wrdreg $0x60  }
0xae: {  	[dreg:$0x2] =	wrdreg s2  }
0xaf: {  	[dreg:$0x3] =	wrdreg s24  }
0xb0: {  	[dreg:$0x4] =	wrdreg $0x9  }
0xb1: {  	_ =	task.clear_ibuf [dreg:s7], $0x5FFFF;
	_ =	strace $0x90000046  }
0xb2: {  	s29 =	simm.s32 $0x9;
	_ =	strace $0x80000048  }
0xb3: {  	_ =	swait.ge [sflag:s29], $0x1  }
0xb4: {  	[sflag:s29] =	ssyncadd.s32 $0xFFFFFFFF  }
0xb5: {  	_ =	strace $0x90000048  }
0xb6: {  	_ =	sfence  }
0xb7: {  	s30 =	sld [smem:$0x0];
	_ =	sdelay $0x2  }
0xb8: {  	s31 =	sshll.u32 s1, $0xD;
	s1 =	sshrl.u32 s1, $0x2  }
0xb9: {  	s3 =	sand.u32 $0x4000, s31;
	s1 =	sadd.s32 s1, s30  }
0xba: {  	s0 =	sor.u32 s3, s0;
	s1 =	sshll.u32 s1, $0x11  }
0xbb: {  	s0 =	sor.u32 s1, s0  }
0xbc: {  	s0 =	sadd.s32 $0x8F2B, s0  }
0xbd: {  	[sflag:s0] =	ssyncadd.remote.s32 $0x1  }
0xbe: {  	_ =	sfence.sel $0xFFFF  }
0xbf: {  	[dreg:$0x0] =	wrdreg $0xFFFFFFFF;
	(pc) =	sbr.abs _section_cstart, $3  }
0xc0: {  	[dreg:$0x1] =	wrdreg $0xFFFFFFFF  }
0xc1: {  	_ =	task.clear_ibuf [dreg:s7], $0x2FFFF;
	_ =	strace $0x9FFFFFFF  }
0xc2: {  	(tm) =	ssettm $0x7FFFFFFF  }
0xc3: {  	_ =	shalt  }
tec
execute0_lowered:
.L_overlay_start_1:
0x0: {  	(tag) =	ssettag $0x1  }
0x1: {  	v0 =	vimm.s32 $0xB84;
	vm14 =	vcmask $0x300;
	vm13 =	vcmask $0x704  }
0x2: {  	vm12 =	vcmask $0xB08;
	vm11 =	vcmask $0xF0C;
	vm10 =	vcmask $0x1310  }
0x3: {  	vm9 =	vcmask $0x1714;
	vm8 =	vcmask $0x1B18;
	vm0 =	vcmask $0x1F1C  }
0x4: {  	v1 =	vimm.s32 $0x1B84;
	v2 =	vimm.s32 $0x2B84;
	vm1 =	vcmask $0x2320  }
0x5: {  	vm2 =	vcmask $0x2724;
	vm3 =	vcmask $0x2B28;
	vm4 =	vcmask $0x2F2C  }
0x6: {  	vm5 =	vcmask $0x3330;
	vm6 =	vcmask $0x3734;
	vm7 =	vcmask $0x3B38  }
0x7: {  	v3 =	vimm.s32 $0x3B84;
	v4 =	vimm.s32 $0xBD9;
	v5 =	vimm.s32 $0x1BD9  }
0x8: {  	v6 =	vimm.s32 $0x2BD9;
	v7 =	vimm.s32 $0x3BD9;
	v8 =	vimm.s32 $0xFAE  }
0x9: {  	v9 =	vimm.s32 $0x1FAE;
	v10 =	vimm.s32 $0x2FAE;
	v11 =	vimm.s32 $0x3FAE  }
0xa: {  	v0 =	vsel vm14, $0x4, v0;
	v1 =	vsel vm14, $0x1004, v1;
	v2 =	vsel vm14, $0x2004, v2  }
0xb: {  	v3 =	vsel vm14, $0x3004, v3;
	v4 =	vsel vm14, $0x59, v4;
	v5 =	vsel vm14, $0x1059, v5  }
0xc: {  	v6 =	vsel vm14, $0x2059, v6;
	v7 =	vsel vm14, $0x3059, v7;
	v8 =	vsel vm14, $0x42E, v8  }
0xd: {  	v9 =	vsel vm14, $0x142E, v9;
	v10 =	vsel vm14, $0x242E, v10;
	v11 =	vsel vm14, $0x342E, v11  }
0xe: {  	v0 =	vsel vm13, $0x84, v0;
	v1 =	vsel vm13, $0x1084, v1;
	v2 =	vsel vm13, $0x2084, v2  }
0xf: {  	v3 =	vsel vm13, $0x3084, v3;
	v4 =	vsel vm13, $0xD9, v4;
	v5 =	vsel vm13, $0x10D9, v5  }
0x10: {  	v6 =	vsel vm13, $0x20D9, v6;
	v7 =	vsel vm13, $0x30D9, v7;
	v8 =	vsel vm13, $0x4AE, v8  }
0x11: {  	v9 =	vsel vm13, $0x14AE, v9;
	v10 =	vsel vm13, $0x24AE, v10;
	v11 =	vsel vm13, $0x34AE, v11  }
0x12: {  	v0 =	vsel vm12, $0x104, v0;
	v1 =	vsel vm12, $0x1104, v1;
	v2 =	vsel vm12, $0x2104, v2  }
0x13: {  	v3 =	vsel vm12, $0x3104, v3;
	v4 =	vsel vm12, $0x159, v4;
	v5 =	vsel vm12, $0x1159, v5  }
0x14: {  	v6 =	vsel vm12, $0x2159, v6;
	v7 =	vsel vm12, $0x3159, v7;
	v8 =	vsel vm12, $0x52E, v8  }
0x15: {  	v9 =	vsel vm12, $0x152E, v9;
	v10 =	vsel vm12, $0x252E, v10;
	v11 =	vsel vm12, $0x352E, v11  }
0x16: {  	v0 =	vsel vm11, $0x184, v0;
	v1 =	vsel vm11, $0x1184, v1;
	v2 =	vsel vm11, $0x2184, v2  }
0x17: {  	v3 =	vsel vm11, $0x3184, v3;
	v4 =	vsel vm11, $0x1D9, v4;
	v5 =	vsel vm11, $0x11D9, v5  }
0x18: {  	v6 =	vsel vm11, $0x21D9, v6;
	v7 =	vsel vm11, $0x31D9, v7;
	v8 =	vsel vm11, $0x5AE, v8  }
0x19: {  	v9 =	vsel vm11, $0x15AE, v9;
	v10 =	vsel vm11, $0x25AE, v10;
	v11 =	vsel vm11, $0x35AE, v11  }
0x1a: {  	v0 =	vsel vm10, $0x204, v0;
	v1 =	vsel vm10, $0x1204, v1;
	v2 =	vsel vm10, $0x2204, v2  }
0x1b: {  	v3 =	vsel vm10, $0x3204, v3;
	v4 =	vsel vm10, $0x259, v4;
	v5 =	vsel vm10, $0x1259, v5  }
0x1c: {  	v6 =	vsel vm10, $0x2259, v6;
	v7 =	vsel vm10, $0x3259, v7;
	v8 =	vsel vm10, $0x62E, v8  }
0x1d: {  	v9 =	vsel vm10, $0x162E, v9;
	v10 =	vsel vm10, $0x262E, v10;
	v11 =	vsel vm10, $0x362E, v11  }
0x1e: {  	v0 =	vsel vm9, $0x284, v0;
	v1 =	vsel vm9, $0x1284, v1;
	v2 =	vsel vm9, $0x2284, v2  }
0x1f: {  	v3 =	vsel vm9, $0x3284, v3;
	v4 =	vsel vm9, $0x2D9, v4;
	v5 =	vsel vm9, $0x12D9, v5  }
0x20: {  	v6 =	vsel vm9, $0x22D9, v6;
	v7 =	vsel vm9, $0x32D9, v7;
	v8 =	vsel vm9, $0x6AE, v8  }
0x21: {  	v9 =	vsel vm9, $0x16AE, v9;
	v10 =	vsel vm9, $0x26AE, v10;
	v11 =	vsel vm9, $0x36AE, v11  }
0x22: {  	v0 =	vsel vm8, $0x304, v0;
	v1 =	vsel vm8, $0x1304, v1;
	v2 =	vsel vm8, $0x2304, v2  }
0x23: {  	v3 =	vsel vm8, $0x3304, v3;
	v4 =	vsel vm8, $0x359, v4;
	v5 =	vsel vm8, $0x1359, v5  }
0x24: {  	v6 =	vsel vm8, $0x2359, v6;
	v7 =	vsel vm8, $0x3359, v7;
	v8 =	vsel vm8, $0x72E, v8  }
0x25: {  	v9 =	vsel vm8, $0x172E, v9;
	v10 =	vsel vm8, $0x272E, v10;
	v11 =	vsel vm8, $0x372E, v11  }
0x26: {  	v0 =	vsel vm0, $0x384, v0;
	v1 =	vsel vm0, $0x1384, v1;
	v2 =	vsel vm0, $0x2384, v2  }
0x27: {  	v3 =	vsel vm0, $0x3384, v3;
	v4 =	vsel vm0, $0x3D9, v4;
	v5 =	vsel vm0, $0x13D9, v5  }
0x28: {  	v6 =	vsel vm0, $0x23D9, v6;
	v7 =	vsel vm0, $0x33D9, v7;
	v8 =	vsel vm0, $0x7AE, v8  }
0x29: {  	v9 =	vsel vm0, $0x17AE, v9;
	v10 =	vsel vm0, $0x27AE, v10;
	v11 =	vsel vm0, $0x37AE, v11  }
0x2a: {  	v0 =	vsel vm1, $0x804, v0;
	v1 =	vsel vm1, $0x1804, v1;
	v2 =	vsel vm1, $0x2804, v2  }
0x2b: {  	v3 =	vsel vm1, $0x3804, v3;
	v4 =	vsel vm1, $0x859, v4;
	v5 =	vsel vm1, $0x1859, v5  }
0x2c: {  	v6 =	vsel vm1, $0x2859, v6;
	v7 =	vsel vm1, $0x3859, v7;
	v8 =	vsel vm1, $0xC2E, v8  }
0x2d: {  	v9 =	vsel vm1, $0x1C2E, v9;
	v10 =	vsel vm1, $0x2C2E, v10;
	v11 =	vsel vm1, $0x3C2E, v11  }
0x2e: {  	v0 =	vsel vm2, $0x884, v0;
	v1 =	vsel vm2, $0x1884, v1;
	v2 =	vsel vm2, $0x2884, v2  }
0x2f: {  	v3 =	vsel vm2, $0x3884, v3;
	v4 =	vsel vm2, $0x8D9, v4;
	v5 =	vsel vm2, $0x18D9, v5  }
0x30: {  	v6 =	vsel vm2, $0x28D9, v6;
	v7 =	vsel vm2, $0x38D9, v7;
	v8 =	vsel vm2, $0xCAE, v8  }
0x31: {  	v9 =	vsel vm2, $0x1CAE, v9;
	v10 =	vsel vm2, $0x2CAE, v10;
	v11 =	vsel vm2, $0x3CAE, v11  }
0x32: {  	v0 =	vsel vm3, $0x904, v0;
	v1 =	vsel vm3, $0x1904, v1;
	v2 =	vsel vm3, $0x2904, v2  }
0x33: {  	v3 =	vsel vm3, $0x3904, v3;
	v4 =	vsel vm3, $0x959, v4;
	v5 =	vsel vm3, $0x1959, v5  }
0x34: {  	v6 =	vsel vm3, $0x2959, v6;
	v7 =	vsel vm3, $0x3959, v7;
	v8 =	vsel vm3, $0xD2E, v8  }
0x35: {  	v9 =	vsel vm3, $0x1D2E, v9;
	v10 =	vsel vm3, $0x2D2E, v10;
	v11 =	vsel vm3, $0x3D2E, v11  }
0x36: {  	v0 =	vsel vm4, $0x984, v0;
	v1 =	vsel vm4, $0x1984, v1;
	v2 =	vsel vm4, $0x2984, v2  }
0x37: {  	v3 =	vsel vm4, $0x3984, v3;
	v4 =	vsel vm4, $0x9D9, v4;
	v5 =	vsel vm4, $0x19D9, v5  }
0x38: {  	s9 =	rddreg [dreg:$0x0];
	v6 =	vsel vm4, $0x29D9, v6;
	v7 =	vsel vm4, $0x39D9, v7;
	v8 =	vsel vm4, $0xDAE, v8  }
0x39: {  	s10 =	rddreg [dreg:$0x1];
	v9 =	vsel vm4, $0x1DAE, v9;
	v10 =	vsel vm4, $0x2DAE, v10;
	v11 =	vsel vm4, $0x3DAE, v11  }
0x3a: {  	s2 =	srdreg.scid;
	s0 =	stileid.u32;
	v0 =	vsel vm5, $0xA04, v0;
	v1 =	vsel vm5, $0x1A04, v1;
	v2 =	vsel vm5, $0x2A04, v2  }
0x3b: {  	s1 =	rddreg [dreg:$0x2];
	s15 =	simm.s32 $0x10000;
	s16 =	simm.s32 $0x14000;
	v3 =	vsel vm5, $0x3A04, v3;
	v4 =	vsel vm5, $0xA59, v4;
	v5 =	vsel vm5, $0x1A59, v5  }
0x3c: {  	s17 =	simm.s32 $0x1C000;
	s18 =	simm.s32 $0x8;
	s19 =	simm.s32 $0x0;
	v6 =	vsel vm5, $0x2A59, v6;
	v7 =	vsel vm5, $0x3A59, v7;
	v8 =	vsel vm5, $0xE2E, v8  }
0x3d: {  	s11 =	sand.u32 $0x1, s2;
	s3 =	sshll.u32 s0, $0x1;
	s2 =	simm.s32 $0x0;
	v9 =	vsel vm5, $0x1E2E, v9;
	v10 =	vsel vm5, $0x2E2E, v10;
	v11 =	vsel vm5, $0x3E2E, v11  }
0x3e: {  	s14 =	sshll.u32 s0, $0x11;
	s4 =	ssub.s32 $0x2, s11;
	s12 =	sor.u32 s11, s3;
	v0 =	vsel vm6, $0xA84, v0;
	v1 =	vsel vm6, $0x1A84, v1;
	v2 =	vsel vm6, $0x2A84, v2  }
0x3f: {  	[smem:$0x7FF] =	sst s2;
	s14 =	sadd.s32 s14, s9;
	s11 =	sshll.u32 s11, $0x10;
	v3 =	vsel vm6, $0x3A84, v3;
	v4 =	vsel vm6, $0xAD9, v4;
	v5 =	vsel vm6, $0x1AD9, v5  }
0x40: {  	s31 =	sshrl.u32 s4, $0x1;
	s5 =	sshll.u32 s12, $0x10;
	_ =	strace $0x80000047;
	v6 =	vsel vm6, $0x2AD9, v6;
	v7 =	vsel vm6, $0x3AD9, v7;
	v8 =	vsel vm6, $0xEAE, v8  }
0x41: {  	s12 =	sshll.u32 s12, $0x4;
	s11 =	sadd.s32 s11, s14;
	s14 =	simm.s32 $0xC000;
	v9 =	vsel vm6, $0x1EAE, v9;
	v10 =	vsel vm6, $0x2EAE, v10;
	v11 =	vsel vm6, $0x3EAE, v11  }
0x42: {  	s13 =	ssub.s32 s4, s31;
	s3 =	sadd.s32 s9, s5;
	s9 =	sadd.s32 s10, s12;
	v0 =	vsel vm7, $0xB04, v0;
	v1 =	vsel vm7, $0x1B04, v1;
	v2 =	vsel vm7, $0x2B04, v2  }
0x43: {  	s11 =	sadd.s32 $0x3000, s11;
	s12 =	simm.s32 $0x4000;
	s4 =	sadd.s32 $0x800, s3;
	v3 =	vsel vm7, $0x3B04, v3;
	v4 =	vsel vm7, $0xB59, v4;
	v5 =	vsel vm7, $0x1B59, v5  }
0x44: {  	s5 =	sadd.s32 $0x1000, s3;
	s6 =	sadd.s32 $0x1800, s3;
	s7 =	sadd.s32 $0x2000, s3;
	v6 =	vsel vm7, $0x2B59, v6;
	v7 =	vsel vm7, $0x3B59, v7;
	v8 =	vsel vm7, $0xF2E, v8  }
0x45: {  	s8 =	sadd.s32 $0x2800, s3;
	s10 =	smax.u32 s13, $0x1;
	s13 =	simm.s32 $0x8000;
	v9 =	vsel vm7, $0x1F2E, v9;
	v10 =	vsel vm7, $0x2F2E, v10;
	v11 =	vsel vm7, $0x3F2E, v11  }
.LBB2_1:
0x46: {  	[tilespmem:s2], [sflag:$0x1] =	stream.linear.gather [hbm4b:s3+s2], $0x4000, $0x38;
	[tilespmem:$0x1C080] =	vst v63  }
0x47: {  	s20 =	smul.u32 $0x25, s2  }
0x48: {  	[tilespmem:s12], [sflag:$0x2] =	stream.linear.gather [hbm4b:s4+s2], $0x4000, $0x38;
	[tilespmem:$0x1C080] =	vst v63  }
0x49: {  	p0 =	por $0x0, $0x0;
	s20 =	sshrl.u32 s20, $0x8  }
0x4a: {  	s21 =	simm.s32 @!p0 $0x6;
	s22 =	ssub.s32 $0x0, s20  }
0x4b: {  	[tilespmem:s13], [sflag:$0x3] =	stream.linear.gather [hbm4b:s5+s2], $0x4000, $0x38;
	[tilespmem:$0x1C080] =	vst v63  }
0x4c: {  	s21 =	sand.u32 @!p0 $0xFF, s21;
	s22 =	sand.u32 $0xFE, s22  }
0x4d: {  	s21 =	smul.u32 @!p0 $0x25, s21;
	s22 =	sshrl.u32 s22, $0x1  }
0x4e: {  	[tilespmem:s14], [sflag:$0x4] =	stream.linear.gather [hbm4b:s6+s2], $0x4000, $0x38;
	[tilespmem:$0x1C080] =	vst v63  }
0x4f: {  	s20 =	sadd.s32 s20, s22  }
0x50: {  	s21 =	sshrl.u32 @!p0 s21, $0x8;
	s20 =	sand.u32 $0xFC, s20  }
0x51: {  	[tilespmem:s15], [sflag:$0x5] =	stream.linear.gather [hbm4b:s7+s2], $0x4000, $0x38;
	[tilespmem:$0x1C080] =	vst v63  }
0x52: {  	s22 =	ssub.s32 @!p0 $0x6, s21;
	s20 =	sshrl.u32 s20, $0x2  }
0x53: {  	s22 =	sand.u32 @!p0 $0xFE, s22;
	s20 =	smul.u32 $0x7, s20  }
0x54: {  	s22 =	sshrl.u32 @!p0 s22, $0x1  }
0x55: {  	s21 =	sadd.s32 @!p0 s21, s22;
	s20 =	ssub.s32 $0x0, s20  }
0x56: {  	s21 =	sshrl.u32 @!p0 s21, $0x2;
	s20 =	sand.u32 $0xFF, s20  }
0x57: {  	s21 =	smul.u32 @!p0 $0x7, s21;
	s31 =	sadd.s32 $0x1, s20;
	s20 =	sshll.u32 s20, $0xE  }
0x58: {  	[tilespmem:s16], [sflag:$0x6] =	stream.linear.gather [hbm4b:s8+s2], $0x4000, $0x38;
	v12 =	vor.u32 s20, v1;
	[tilespmem:$0x1C080] =	vst v63  }
0x59: {  	s23 =	simm.s32 $0x1;
	s21 =	ssub.s32 @!p0 $0x6, s21;
	_ =	swait.ge [sflag:s31], $0x4000;
	v13 =	vor.u32 s20, v3  }
0x5a: {  	s24 =	simm.s32 @!p0 $0x0;
	s21 =	sand.u32 @!p0 $0xFF, s21;
	v14 =	vor.u32 s20, v4;
	[sflag:s31] =	ssyncset.done $0x0  }
0x5b: {  	s22 =	sadd.s32 @!p0 $0x1, s21;
	s21 =	sshll.u32 @!p0 s21, $0xE;
	[sflag:s31] =	ssyncadd.s32 $0xFFFFC000  }
0x5c: {  	v15 =	vor.u32 s20, v2;
	[tilespmem:s21], [sflag:s22] =	stream.linear.gather @!p0 [hbm4b:s11+s24], $0x4000, $0x38;
	[tilespmem:$0x1C080] =	vst v63  }
0x5d: {  	s25 =	smul.u32 $0x25, s23;
	v16 =	vor.u32 s20, v0;
	v12 =	vld.idx.msk [tilespmem:v12+s2+$0x0], $0xffff  }
0x5e: {  	v17 =	vor.u32 s20, v7;
	v13 =	vld.idx.msk [tilespmem:v13+s2+$0x0], $0xffff  }
0x5f: {  	v18 =	vor.u32 s20, v8;
	s21 =	sshrl.u32 s25, $0x8;
	v14 =	vld.idx.msk [tilespmem:v14+s2+$0x0], $0xffff  }
0x60: {  	v19 =	vor.u32 s20, v6;
	p0 =	por $0x0, $0x0;
	s26 =	ssub.s32 $0x1, s21  }
0x61: {  	v20 =	vor.u32 s20, v9;
	s23 =	simm.s32 @!p0 $0x7;
	v15 =	vld.idx.msk [tilespmem:v15+s2+$0x0], $0xffff;
	s22 =	sand.u32 $0xFE, s26  }
0x62: {  	v16 =	vld.idx.msk [tilespmem:v16+s2+$0x0], $0xffff;
	s23 =	sand.u32 @!p0 $0xFF, s23;
	s22 =	sshrl.u32 s22, $0x1;
	v12 =	vsub.f32 $0.0e+00, v12  }
0x63: {  	v17 =	vld.idx.msk [tilespmem:v17+s2+$0x0], $0xffff;
	s23 =	smul.u32 @!p0 $0x25, s23;
	s21 =	sadd.s32 s21, s22;
	v13 =	vsub.f32 $0.0e+00, v13  }
0x64: {  	v21 =	vor.u32 s20, v10;
	v18 =	vld.idx.msk [tilespmem:v18+s2+$0x0], $0xffff;
	s21 =	sand.u32 $0xFC, s21;
	v14 =	vsub.f32 $0.0e+00, v14;
	v12 =	vmul.f32 $1.442695020e+00, v12  }
0x65: {  	v22 =	vor.u32 s20, v5;
	v23 =	vor.u32 s20, v11;
	v19 =	vld.idx.msk [tilespmem:v19+s2+$0x0], $0xffff;
	s20 =	sshrl.u32 @!p0 s23, $0x8;
	s21 =	sshrl.u32 s21, $0x2;
	v13 =	vmul.f32 $1.442695020e+00, v13  }
0x66: {  	v20 =	vld.idx.msk [tilespmem:v20+s2+$0x0], $0xffff;
	s22 =	ssub.s32 @!p0 $0x7, s20;
	v15 =	vsub.f32 $0.0e+00, v15;
	s21 =	smul.u32 $0x7, s21;
	v14 =	vmul.f32 $1.442695020e+00, v14;
	(erf) = vpow2.f32 v12  }
0x67: {  	s22 =	sand.u32 @!p0 $0xFE, s22;
	(erf) = vpow2.f32 v13  }
0x68: {  	v17 =	vsub.f32 $0.0e+00, v17;
	s22 =	sshrl.u32 @!p0 s22, $0x1;
	v15 =	vmul.f32 $1.442695020e+00, v15;
	s21 =	ssub.s32 $0x1, s21;
	(erf) = vpow2.f32 v14  }
0x69: {  	v18 =	vsub.f32 $0.0e+00, v18;
	s20 =	sadd.s32 @!p0 s20, s22;
	s21 =	sand.u32 $0xFF, s21;
	v12 =	vld.idx.msk [tilespmem:v21+s2+$0x0], $0xffff  }
0x6a: {  	v19 =	vsub.f32 $0.0e+00, v19;
	v17 =	vmul.f32 $1.442695020e+00, v17;
	s20 =	sshrl.u32 @!p0 s20, $0x2;
	s28 =	sadd.s32 $0x1, s21;
	v13 =	vld.idx.msk [tilespmem:v22+s2+$0x0], $0xffff;
	(erf) = vpow2.f32 v15  }
0x6b: {  	v18 =	vmul.f32 $1.442695020e+00, v18;
	s20 =	smul.u32 @!p0 $0x7, s20;
	s21 =	sshll.u32 s21, $0xE;
	v14 =	vld.idx.msk [tilespmem:v23+s2+$0x0], $0xffff;
	v15 =	vsub.f32 $0.0e+00, v16;
	v16 =	vsub.f32 $0.0e+00, v20;
	_ =	swait.ge [sflag:s28], $0x4000  }
0x6c: {  	v19 =	vmul.f32 $1.442695020e+00, v19;
	v20 =	vor.u32 s21, v1;
	(erf) = vpow2.f32 v17  }
0x6d: {  	s24 =	simm.s32 @!p0 $0x0;
	v22 =	vor.u32 s21, v7;
	s23 =	ssub.s32 @!p0 $0x7, s20;
	v16 =	vmul.f32 $1.442695020e+00, v16;
	(erf) = vpow2.f32 v18  }
0x6e: {  	s20 =	sadd.s32 $0x800, s11;
	s23 =	sand.u32 @!p0 $0xFF, s23;
	v17 =	vor.u32 s21, v3;
	v15 =	vmul.f32 $1.442695020e+00, v15;
	[sflag:s28] =	ssyncset.done $0x0;
	(erf) = vpow2.f32 v19  }
0x6f: {  	v26 =	vor.u32 s21, v9;
	s22 =	sadd.s32 @!p0 $0x1, s23;
	s23 =	sshll.u32 @!p0 s23, $0xE;
	[sflag:s28] =	ssyncadd.s32 $0xFFFFC000;
	(erf) = vpow2.f32 v16;
	v21 =	vpop (erf)  }
0x70: {  	[tilespmem:s23], [sflag:s22] =	stream.linear.gather @!p0 [hbm4b:s20+s24], $0x4000, $0x38;
	v16 =	vor.u32 s21, v8;
	(erf) = vpow2.f32 v15;
	v23 =	vpop (erf);
	[tilespmem:$0x1C080] =	vst v63  }
0x71: {  	v28 =	vor.u32 s21, v5;
	v13 =	vsub.f32 $0.0e+00, v13;
	v14 =	vsub.f32 $0.0e+00, v14;
	v20 =	vld.idx.msk [tilespmem:v20+s2+$0x0], $0xffff;
	v25 =	vpop (erf)  }
0x72: {  	v18 =	vor.u32 s21, v4;
	v22 =	vld.idx.msk [tilespmem:v22+s2+$0x0], $0xffff;
	v21 =	vadd.f32 $1.000000000e+00, v21;
	v25 =	vadd.f32 $1.000000000e+00, v25  }
0x73: {  	v19 =	vor.u32 s21, v2;
	v13 =	vmul.f32 $1.442695020e+00, v13;
	v14 =	vmul.f32 $1.442695020e+00, v14;
	v17 =	vld.idx.msk [tilespmem:v17+s2+$0x0], $0xffff  }
0x74: {  	v24 =	vor.u32 s21, v0;
	v12 =	vsub.f32 $0.0e+00, v12;
	v26 =	vld.idx.msk [tilespmem:v26+s2+$0x0], $0xffff;
	v27 =	vpop (erf);
	(erf) = vrcp.f32 v21  }
0x75: {  	v15 =	vor.u32 s21, v6;
	(erf) = vpow2.f32 v14;
	v14 =	vld.idx.msk [tilespmem:v16+s2+$0x0], $0xffff;
	v27 =	vadd.f32 $1.000000000e+00, v27;
	v16 =	vpop (erf)  }
0x76: {  	v12 =	vmul.f32 $1.442695020e+00, v12;
	v28 =	vld.idx.msk [tilespmem:v28+s2+$0x0], $0xffff;
	(erf) = vrcp.f32 v25;
	v25 =	vpop (erf)  }
0x77: {  	v29 =	vor.u32 s21, v11;
	v18 =	vld.idx.msk [tilespmem:v18+s2+$0x0], $0xffff;
	v23 =	vadd.f32 $1.000000000e+00, v23;
	(erf) = vpow2.f32 v13;
	v13 =	vpop (erf)  }
0x78: {  	s29 =	simm.s32 $0x2;
	v19 =	vld.idx.msk [tilespmem:v19+s2+$0x0], $0xffff;
	v20 =	vsub.f32 $0.0e+00, v20;
	(erf) = vpow2.f32 v12;
	v12 =	vsub.f32 $0.0e+00, v17;
	v17 =	vpop (erf)  }
0x79: {  	v24 =	vld.idx.msk [tilespmem:v24+s2+$0x0], $0xffff;
	v21 =	vor.u32 s21, v10;
	s21 =	smul.u32 $0x25, s29;
	v22 =	vsub.f32 $0.0e+00, v22;
	(erf) = vrcp.f32 v27;
	v27 =	vpop (erf)  }
0x7a: {  	v26 =	vsub.f32 $0.0e+00, v26;
	v15 =	vld.idx.msk [tilespmem:v15+s2+$0x0], $0xffff;
	v20 =	vmul.f32 $1.442695020e+00, v20;
	v27 =	vadd.f32 $1.000000000e+00, v27  }
0x7b: {  	v28 =	vsub.f32 $0.0e+00, v28;
	s21 =	sshrl.u32 s21, $0x8;
	v22 =	vmul.f32 $1.442695020e+00, v22;
	(erf) = vrcp.f32 v23  }
0x7c: {  	p0 =	por $0x0, $0x0;
	v29 =	vld.idx.msk [tilespmem:v29+s2+$0x0], $0xffff;
	s30 =	ssub.s32 $0x2, s21;
	v16 =	vadd.f32 $1.000000000e+00, v16;
	v18 =	vsub.f32 $0.0e+00, v18;
	(erf) = vrcp.f32 v27  }
0x7d: {  	s23 =	simm.s32 @!p0 $0x8;
	v26 =	vmul.f32 $1.442695020e+00, v26;
	v28 =	vmul.f32 $1.442695020e+00, v28;
	s22 =	sand.u32 $0xFE, s30;
	v19 =	vsub.f32 $0.0e+00, v19  }
0x7e: {  	s23 =	sand.u32 @!p0 $0xFF, s23;
	v21 =	vld.idx.msk [tilespmem:v21+s2+$0x0], $0xffff;
	s22 =	sshrl.u32 s22, $0x1;
	v14 =	vsub.f32 $0.0e+00, v14;
	v18 =	vmul.f32 $1.442695020e+00, v18;
	v23 =	vsub.f32 $0.0e+00, v24;
	v24 =	vpop (erf)  }
0x7f: {  	s23 =	smul.u32 @!p0 $0x25, s23;
	s21 =	sadd.s32 s21, s22;
	v12 =	vmul.f32 $1.442695020e+00, v12;
	v15 =	vsub.f32 $0.0e+00, v15;
	(erf) = vrcp.f32 v16;
	v27 =	vpop (erf)  }
0x80: {  	v19 =	vmul.f32 $1.442695020e+00, v19;
	s21 =	sand.u32 $0xFC, s21;
	(erf) = vpow2.f32 v20;
	v20 =	vadd.f32 $1.000000000e+00, v25;
	v30 =	vpop (erf)  }
0x81: {  	v29 =	vsub.f32 $0.0e+00, v29;
	s22 =	sshrl.u32 @!p0 s23, $0x8;
	v14 =	vmul.f32 $1.442695020e+00, v14;
	s21 =	sshrl.u32 s21, $0x2;
	(erf) = vpow2.f32 v12;
	v16 =	vpop (erf)  }
0x82: {  	s23 =	ssub.s32 @!p0 $0x8, s22;
	v17 =	vadd.f32 $1.000000000e+00, v17;
	v15 =	vmul.f32 $1.442695020e+00, v15;
	s21 =	smul.u32 $0x7, s21;
	(erf) = vrcp.f32 v20;
	v25 =	vpop (erf)  }
0x83: {  	s23 =	sand.u32 @!p0 $0xFE, s23;
	v23 =	vmul.f32 $1.442695020e+00, v23;
	v21 =	vsub.f32 $0.0e+00, v21;
	v31 =	vpop (erf);
	(erf) = vpow2.f32 v18  }
0x84: {  	s23 =	sshrl.u32 @!p0 s23, $0x1;
	v24 =	vmul.f32 v24, v24;
	s21 =	ssub.s32 $0x2, s21;
	v16 =	vadd.f32 $1.000000000e+00, v16;
	v20 =	vpop (erf);
	(erf) = vpow2.f32 v19  }
0x85: {  	v13 =	vadd.f32 $1.000000000e+00, v13;
	s22 =	sadd.s32 @!p0 s22, s23;
	s21 =	sand.u32 $0xFF, s21;
	v18 =	vmul.f32 v31, v31;
	v31 =	vpop (erf);
	(erf) = vrcp.f32 v17  }
0x86: {  	s22 =	sshrl.u32 @!p0 s22, $0x2;
	v21 =	vmul.f32 $1.442695020e+00, v21;
	v12 =	vimm.f32 $0.0e+00;
	s31 =	sadd.s32 $0x1, s21;
	s21 =	sshll.u32 s21, $0xE;
	(erf) = vrcp.f32 v16  }
0x87: {  	s22 =	smul.u32 @!p0 $0x7, s22;
	v32 =	vor.u32 s21, v4;
	v33 =	vor.u32 s21, v5;
	v17 =	vadd.f32 $1.000000000e+00, v25;
	_ =	swait.ge [sflag:s31], $0x4000  }
0x88: {  	v25 =	vmul.f32 $1.442695020e+00, v29;
	v29 =	vor.u32 s21, v1;
	(erf) = vpow2.f32 v22  }
0x89: {  	s20 =	sadd.s32 $0x800, s20;
	s22 =	ssub.s32 @!p0 $0x8, s22;
	v38 =	vor.u32 s21, v8;
	v19 =	vadd.f32 $1.000000000e+00, v27;
	v22 =	vpop (erf);
	(erf) = vrcp.f32 v13  }
0x8a: {  	s24 =	simm.s32 @!p0 $0x0;
	s22 =	sand.u32 @!p0 $0xFF, s22;
	v27 =	vmul.f32 v31, v31;
	v31 =	vor.u32 s21, v3;
	[sflag:s31] =	ssyncset.done $0x0;
	v35 =	vpop (erf);
	(erf) = vpow2.f32 v14  }
0x8b: {  	v34 =	vor.u32 s21, v6;
	s23 =	sadd.s32 @!p0 $0x1, s22;
	s22 =	sshll.u32 @!p0 s22, $0xE;
	v16 =	vor.u32 s21, v0;
	[sflag:s31] =	ssyncadd.s32 $0xFFFFC000;
	v37 =	vpop (erf);
	(erf) = vpow2.f32 v15  }
0x8c: {  	v36 =	vor.u32 s21, v7;
	[tilespmem:s22], [sflag:s23] =	stream.linear.gather @!p0 [hbm4b:s20+s24], $0x4000, $0x38;
	v15 =	vpop (erf);
	(erf) = vpow2.f32 v26;
	v26 =	vadd.f32 v27, v12;
	[tilespmem:$0x1C080] =	vst v63  }
0x8d: {  	v13 =	vor.u32 s21, v2;
	v14 =	vadd.f32 $1.000000000e+00, v35;
	v29 =	vld.idx.msk [tilespmem:v29+s2+$0x0], $0xffff;
	v39 =	vpop (erf);
	(erf) = vpow2.f32 v23  }
0x8e: {  	v60 =	vor.u32 s21, v9;
	v38 =	vld.idx.msk [tilespmem:v38+s2+$0x0], $0xffff;
	v23 =	vpop (erf);
	v24 =	vadd.f32 v24, v26;
	(erf) = vrcp.f32 v17  }
0x8f: {  	v12 =	vmul.f32 v15, v15;
	v15 =	vld.idx.msk [tilespmem:v31+s2+$0x0], $0xffff;
	v27 =	vadd.f32 $1.000000000e+00, v39;
	v61 =	vpop (erf);
	(erf) = vrcp.f32 v14  }
0x90: {  	v17 =	vmul.f32 v20, v20;
	v14 =	vld.idx.msk [tilespmem:v16+s2+$0x0], $0xffff;
	(erf) = vpow2.f32 v25;
	v16 =	vadd.f32 v18, v24;
	v18 =	vpop (erf)  }
0x91: {  	v30 =	vmul.f32 v30, v30;
	v62 =	vor.u32 s21, v10;
	v31 =	vld.idx.msk [tilespmem:v32+s2+$0x0], $0xffff;
	(erf) = vrcp.f32 v27;
	v20 =	vpop (erf)  }
0x92: {  	v40 =	vor.u32 s21, v11;
	v24 =	vld.idx.msk [tilespmem:v13+s2+$0x0], $0xffff;
	v16 =	vadd.f32 v17, v16;
	v13 =	vpop (erf);
	(erf) = vrcp.f32 v19  }
0x93: {  	v37 =	vadd.f32 $1.000000000e+00, v37;
	v25 =	vadd.f32 $1.000000000e+00, v23;
	(erf) = vpow2.f32 v28  }
0x94: {  	v26 =	vld.idx.msk [tilespmem:v36+s2+$0x0], $0xffff;
	v23 =	vmul.f32 v22, v22;
	v17 =	vpop (erf);
	(erf) = vpow2.f32 v21;
	v21 =	vadd.f32 v30, v16  }
0x95: {  	v29 =	vsub.f32 $0.0e+00, v29;
	v18 =	vmul.f32 v18, v18;
	v27 =	vld.idx.msk [tilespmem:v34+s2+$0x0], $0xffff;
	v41 =	vmul.f32 v13, v13;
	v13 =	vpop (erf)  }
0x96: {  	v15 =	vsub.f32 $0.0e+00, v15;
	v32 =	vsub.f32 $0.0e+00, v31;
	v19 =	vld.idx.msk [tilespmem:v62+s2+$0x0], $0xffff;
	(erf) = vrcp.f32 v25;
	v30 =	vpop (erf)  }
0x97: {  	v22 =	vmul.f32 $1.442695020e+00, v29;
	v29 =	vld.idx.msk [tilespmem:v60+s2+$0x0], $0xffff;
	v28 =	vsub.f32 $0.0e+00, v38;
	v31 =	vpop (erf);
	v63 =	vadd.f32 v18, v21  }
0x98: {  	v16 =	vld.idx.msk [tilespmem:v33+s2+$0x0], $0xffff;
	v25 =	vmul.f32 $1.442695020e+00, v15;
	v33 =	vsub.f32 $0.0e+00, v24;
	v34 =	vadd.f32 $1.000000000e+00, v31;
	v21 =	vpop (erf)  }
0x99: {  	s21 =	simm.s32 $0x3;
	v15 =	vld.idx.msk [tilespmem:v40+s2+$0x0], $0xffff;
	v18 =	vmul.f32 v61, v61;
	(erf) = vrcp.f32 v37;
	v31 =	vadd.f32 v41, v63;
	v24 =	vpop (erf)  }
.LBB2_2:
0x9a: {  	s22 =	smul.u32 $0x25, s21;
	v32 =	vmul.f32 $1.442695020e+00, v32;
	v27 =	vsub.f32 $0.0e+00, v27;
	(erf) = vrcp.f32 v34;
	v34 =	vpop (erf);
	s23 =	smov.u32 s21;
	s21 =	sadd.s32 $0x1, s21  }
0x9b: {  	v14 =	vsub.f32 $0.0e+00, v14;
	v26 =	vsub.f32 $0.0e+00, v26;
	p0 =	sne.s32 s21, $0x20;
	v33 =	vmul.f32 $1.442695020e+00, v33;
	v35 =	vpop (erf)  }
0x9c: {  	v19 =	vsub.f32 $0.0e+00, v19;
	v30 =	vadd.f32 $1.000000000e+00, v30;
	p1 =	sgt.u32 s23, $0x19;
	s24 =	sshrl.u32 s22, $0x8;
	v27 =	vmul.f32 $1.442695020e+00, v27;
	v36 =	vpop (erf)  }
0x9d: {  	v20 =	vadd.f32 $1.000000000e+00, v20;
	s22 =	sadd.s32 @!p1 $0x6, s23;
	v26 =	vmul.f32 $1.442695020e+00, v26;
	v29 =	vsub.f32 $0.0e+00, v29;
	s25 =	ssub.s32 s23, s24;
	v37 =	vpop (erf)  }
0x9e: {  	v28 =	vmul.f32 $1.442695020e+00, v28;
	v24 =	vmul.f32 v24, v24;
	v23 =	vadd.f32 v23, v31;
	s26 =	sand.u32 @!p1 $0xFF, s22;
	s25 =	sand.u32 $0xFE, s25;
	v38 =	vpop (erf)  }
0x9f: {  	v16 =	vsub.f32 $0.0e+00, v16;
	v36 =	vmul.f32 v36, v36;
	s26 =	smul.u32 @!p1 $0x25, s26;
	v29 =	vmul.f32 $1.442695020e+00, v29;
	s25 =	sshrl.u32 s25, $0x1;
	v31 =	vpop (erf)  }
0xa0: {  	v14 =	vmul.f32 $1.442695020e+00, v14;
	v12 =	vadd.f32 v12, v23;
	s24 =	sadd.s32 s24, s25;
	(erf) = vrcp.f32 v20  }
0xa1: {  	v17 =	vadd.f32 $1.000000000e+00, v17;
	v16 =	vmul.f32 $1.442695020e+00, v16;
	s25 =	sshrl.u32 @!p1 s26, $0x8;
	s24 =	sand.u32 $0xFC, s24;
	(erf) = vpow2.f32 v22  }
0xa2: {  	v12 =	vadd.f32 v18, v12;
	v18 =	vmul.f32 v21, v21;
	s26 =	ssub.s32 @!p1 s22, s25;
	s24 =	sshrl.u32 s24, $0x2;
	(erf) = vpow2.f32 v25;
	v20 =	vpop (erf)  }
0xa3: {  	v21 =	vmul.f32 $1.442695020e+00, v19;
	v19 =	vadd.f32 $1.000000000e+00, v34;
	s26 =	sand.u32 @!p1 $0xFE, s26;
	s24 =	smul.u32 $0x7, s24;
	v22 =	vpop (erf);
	(erf) = vrcp.f32 v17  }
0xa4: {  	v23 =	vadd.f32 $1.000000000e+00, v37;
	s26 =	sshrl.u32 @!p1 s26, $0x1;
	v17 =	vmul.f32 v31, v31;
	(erf) = vpow2.f32 v32  }
0xa5: {  	v15 =	vsub.f32 $0.0e+00, v15;
	v12 =	vadd.f32 v18, v12;
	s23 =	ssub.s32 s23, s24;
	s24 =	sadd.s32 @!p1 s25, s26;
	(erf) = vpow2.f32 v33  }
0xa6: {  	v18 =	vmul.f32 v22, v22;
	v22 =	vadd.f32 $1.000000000e+00, v38;
	s23 =	sand.u32 $0xFF, s23;
	s24 =	sshrl.u32 @!p1 s24, $0x2;
	(erf) = vrcp.f32 v30  }
0xa7: {  	v13 =	vadd.f32 $1.000000000e+00, v13;
	v15 =	vmul.f32 $1.442695020e+00, v15;
	v12 =	vadd.f32 v36, v12;
	s25 =	sadd.s32 $0x1, s23;
	s24 =	smul.u32 @!p1 $0x7, s24;
	s23 =	sshll.u32 s23, $0xE  }
0xa8: {  	v25 =	vor.u32 s23, v0;
	v30 =	vor.u32 s23, v1;
	(erf) = vrcp.f32 v23  }
0xa9: {  	_ =	swait.ge [sflag:s25], $0x4000  }
0xaa: {  	s20 =	sadd.s32 $0x800, s20;
	v23 =	vor.u32 s23, v3;
	v31 =	vor.u32 s23, v4;
	s22 =	ssub.s32 @!p1 s22, s24;
	(erf) = vpow2.f32 v26;
	v32 =	vpop (erf)  }
0xab: {  	v33 =	vor.u32 s23, v5;
	s24 =	simm.s32 @!p1 $0x0;
	s22 =	sand.u32 @!p1 $0xFF, s22;
	v26 =	vor.u32 s23, v6;
	[sflag:s25] =	ssyncset.done $0x0;
	v34 =	vpop (erf);
	(erf) = vrcp.f32 v13  }
0xac: {  	v36 =	vor.u32 s23, v7;
	v13 =	vor.u32 s23, v2;
	[sflag:s25] =	ssyncadd.s32 $0xFFFFC000;
	s25 =	sadd.s32 @!p1 $0x1, s22;
	s22 =	sshll.u32 @!p1 s22, $0xE;
	v37 =	vpop (erf);
	(erf) = vpow2.f32 v28  }
0xad: {  	v28 =	vor.u32 s23, v8;
	v34 =	vadd.f32 $1.000000000e+00, v34;
	[tilespmem:s22], [sflag:s25] =	stream.linear.gather @!p1 [hbm4b:s20+s24], $0x4000, $0x38;
	(erf) = vpow2.f32 v27;
	v27 =	vpop (erf);
	[tilespmem:$0x1C080] =	vst v63  }
0xae: {  	v18 =	vadd.f32 v18, v12;
	v38 =	vor.u32 s23, v9;
	v30 =	vld.idx.msk [tilespmem:v30+s2+$0x0], $0xffff;
	v39 =	vpop (erf);
	(erf) = vpow2.f32 v29  }
0xaf: {  	v12 =	vmul.f32 v27, v27;
	v29 =	vld.idx.msk [tilespmem:v23+s2+$0x0], $0xffff;
	v23 =	vadd.f32 $1.000000000e+00, v39;
	(erf) = vpow2.f32 v14;
	v39 =	vpop (erf)  }
0xb0: {  	v18 =	vadd.f32 v24, v18;
	v24 =	vmul.f32 v35, v35;
	v31 =	vld.idx.msk [tilespmem:v31+s2+$0x0], $0xffff;
	v35 =	vpop (erf);
	(erf) = vrcp.f32 v22  }
0xb1: {  	v22 =	vor.u32 s23, v10;
	v14 =	vld.idx.msk [tilespmem:v25+s2+$0x0], $0xffff;
	(erf) = vrcp.f32 v34;
	v25 =	vmul.f32 v20, v20  }
0xb2: {  	v41 =	vadd.f32 v17, v18;
	v34 =	vor.u32 s23, v11;
	v40 =	vld.idx.msk [tilespmem:v13+s2+$0x0], $0xffff;
	(erf) = vpow2.f32 v15;
	v15 =	vpop (erf)  }
0xb3: {  	v37 =	vadd.f32 $1.000000000e+00, v37;
	v28 =	vld.idx.msk [tilespmem:v28+s2+$0x0], $0xffff;
	(erf) = vrcp.f32 v23;
	v20 =	vpop (erf);
	v15 =	vmul.f32 v15, v15  }
0xb4: {  	v18 =	vadd.f32 $1.000000000e+00, v39;
	v23 =	vadd.f32 v25, v41;
	v27 =	vld.idx.msk [tilespmem:v26+s2+$0x0], $0xffff;
	v13 =	vpop (erf);
	(erf) = vrcp.f32 v19  }
0xb5: {  	v25 =	vsub.f32 $0.0e+00, v30;
	v26 =	vld.idx.msk [tilespmem:v36+s2+$0x0], $0xffff;
	(erf) = vpow2.f32 v16;
	v17 =	vpop (erf);
	v36 =	vmul.f32 v13, v13  }
.Ltmp0:
0xb6: {  	v39 =	vadd.f32 v24, v23;
	v23 =	vmul.f32 v32, v32;
	v19 =	vld.idx.msk [tilespmem:v22+s2+$0x0], $0xffff;
	v13 =	vpop (erf);
	(erf) = vpow2.f32 v21;
	(pc) =	sbr.rel @p0 .LBB2_2-.Ltmp0, $4  }
0xb7: {  	v41 =	vsub.f32 $0.0e+00, v29;
	v22 =	vmul.f32 $1.442695020e+00, v25;
	v16 =	vld.idx.msk [tilespmem:v33+s2+$0x0], $0xffff;
	(erf) = vrcp.f32 v18;
	v30 =	vpop (erf)  }
0xb8: {  	v32 =	vsub.f32 $0.0e+00, v31;
	v18 =	vmul.f32 v35, v35;
	v29 =	vld.idx.msk [tilespmem:v38+s2+$0x0], $0xffff;
	v31 =	vpop (erf);
	v38 =	vadd.f32 v15, v39  }
0xb9: {  	v25 =	vmul.f32 $1.442695020e+00, v41;
	v28 =	vsub.f32 $0.0e+00, v28;
	v15 =	vld.idx.msk [tilespmem:v34+s2+$0x0], $0xffff;
	v34 =	vadd.f32 $1.000000000e+00, v31;
	v21 =	vpop (erf)  }
0xba: {  	v33 =	vsub.f32 $0.0e+00, v40;
	v24 =	vpop (erf);
	(erf) = vrcp.f32 v37;
	v31 =	vadd.f32 v36, v38  }
0xbb: {  	v20 =	vadd.f32 $1.000000000e+00, v20  }
0xbc: {  	(erf) = vrcp.f32 v34  }
0xbd: {  	v32 =	vmul.f32 $1.442695020e+00, v32;
	v61 =	vsub.f32 $0.0e+00, v27;
	(erf) = vrcp.f32 v20  }
0xbe: {  	v62 =	vpop (erf);
	v17 =	vadd.f32 $1.000000000e+00, v17;
	v35 =	vsub.f32 $0.0e+00, v26;
	(erf) = vpow2.f32 v22  }
0xbf: {  	v37 =	vadd.f32 $1.000000000e+00, v30;
	v63 =	vmul.f32 $1.442695020e+00, v33;
	v33 =	vpop (erf);
	(erf) = vpow2.f32 v25  }
0xc0: {  	v42 =	vmul.f32 $1.442695020e+00, v28;
	v23 =	vadd.f32 v23, v31;
	v36 =	vpop (erf);
	(erf) = vrcp.f32 v17  }
0xc1: {  	v13 =	vadd.f32 $1.000000000e+00, v13;
	v44 =	vmul.f32 v21, v21;
	v38 =	vpop (erf);
	(erf) = vpow2.f32 v32  }
0xc2: {  	v12 =	vadd.f32 v12, v23;
	v39 =	vpop (erf);
	v30 =	vadd.f32 $1.000000000e+00, v38;
	(erf) = vpow2.f32 v63  }
0xc3: {  	v14 =	vsub.f32 $0.0e+00, v14;
	v25 =	vmul.f32 $1.442695020e+00, v35;
	v41 =	vpop (erf);
	(erf) = vrcp.f32 v37  }
0xc4: {  	v20 =	vmul.f32 $1.442695020e+00, v61;
	v12 =	vadd.f32 v18, v12;
	v43 =	vpop (erf);
	(erf) = vrcp.f32 v30  }
0xc5: {  	v40 =	vsub.f32 $0.0e+00, v29;
	v14 =	vmul.f32 $1.442695020e+00, v14;
	v45 =	vpop (erf);
	(erf) = vpow2.f32 v25  }
0xc6: {  	v47 =	vmul.f32 v36, v36;
	v12 =	vadd.f32 v44, v12;
	v46 =	vpop (erf);
	(erf) = vrcp.f32 v13  }
0xc7: {  	v22 =	vmul.f32 $1.442695020e+00, v40;
	v48 =	vpop (erf);
	(erf) = vpow2.f32 v42  }
0xc8: {  	v12 =	vadd.f32 v47, v12;
	v51 =	vmul.f32 v45, v45;
	v50 =	vpop (erf);
	(erf) = vpow2.f32 v20  }
0xc9: {  	v15 =	vsub.f32 $0.0e+00, v15;
	v52 =	vpop (erf);
	(erf) = vpow2.f32 v22  }
0xca: {  	v54 =	vmul.f32 v24, v24;
	v12 =	vadd.f32 v51, v12;
	v53 =	vpop (erf);
	(erf) = vpow2.f32 v14  }
0xcb: {  	v49 =	vsub.f32 $0.0e+00, v19;
	v55 =	vadd.f32 $1.000000000e+00, v39;
	v15 =	vmul.f32 $1.442695020e+00, v15;
	v56 =	vpop (erf)  }
0xcc: {  	v57 =	vmul.f32 v41, v41;
	v18 =	vadd.f32 $1.000000000e+00, v48;
	v12 =	vadd.f32 v54, v12;
	v58 =	vpop (erf)  }
0xcd: {  	v16 =	vsub.f32 $0.0e+00, v16;
	v23 =	vmul.f32 v43, v43;
	(erf) = vrcp.f32 v55;
	v59 =	vpop (erf)  }
0xce: {  	v21 =	vadd.f32 $1.000000000e+00, v53;
	v12 =	vadd.f32 v57, v12;
	(erf) = vrcp.f32 v18;
	v61 =	vpop (erf)  }
0xcf: {  	v60 =	vadd.f32 $1.000000000e+00, v62;
	v28 =	vmul.f32 v33, v33;
	(erf) = vpow2.f32 v15;
	v62 =	vpop (erf)  }
0xd0: {  	v16 =	vmul.f32 $1.442695020e+00, v16;
	v12 =	vadd.f32 v23, v12;
	(erf) = vrcp.f32 v21;
	v63 =	vpop (erf)  }
0xd1: {  	v17 =	vmul.f32 $1.442695020e+00, v49;
	v20 =	vadd.f32 $1.000000000e+00, v56;
	(erf) = vrcp.f32 v60;
	v29 =	vpop (erf)  }
0xd2: {  	v14 =	vmul.f32 v59, v59;
	v12 =	vadd.f32 v28, v12;
	(erf) = vpow2.f32 v16;
	v30 =	vpop (erf)  }
0xd3: {  	v19 =	vadd.f32 $1.000000000e+00, v50;
	v15 =	vmul.f32 v62, v62;
	(erf) = vpow2.f32 v17;
	v31 =	vpop (erf)  }
0xd4: {  	v12 =	vadd.f32 v14, v12;
	(erf) = vrcp.f32 v20;
	v17 =	vadd.f32 $1.000000000e+00, v31  }
0xd5: {  	(erf) = vrcp.f32 v19  }
0xd6: {  	v33 =	vmul.f32 v46, v46;
	v12 =	vadd.f32 v15, v12;
	v32 =	vpop (erf);
	(erf) = vrcp.f32 v17  }
0xd7: {  	v34 =	vpop (erf)  }
0xd8: {  	v13 =	vmul.f32 v52, v52;
	v12 =	vadd.f32 v33, v12;
	v35 =	vpop (erf)  }
0xd9: {  	v36 =	vpop (erf)  }
0xda: {  	v38 =	vmul.f32 v58, v58;
	v12 =	vadd.f32 v13, v12;
	v37 =	vpop (erf)  }
0xdb: {  	v40 =	vadd.f32 $1.000000000e+00, v61;
	v39 =	vpop (erf)  }
0xdc: {  	v21 =	vadd.f32 $1.000000000e+00, v63;
	v14 =	vmul.f32 v32, v32;
	v12 =	vadd.f32 v38, v12;
	v41 =	vpop (erf)  }
0xdd: {  	v16 =	vadd.f32 $1.000000000e+00, v30;
	v17 =	vmul.f32 v37, v37;
	(erf) = vrcp.f32 v40;
	v42 =	vpop (erf)  }
0xde: {  	(erf) = vrcp.f32 v21;
	v45 =	vadd.f32 $1.000000000e+00, v39;
	v12 =	vadd.f32 v14, v12;
	v43 =	vpop (erf)  }
0xdf: {  	v47 =	vadd.f32 $1.000000000e+00, v29;
	(erf) = vrcp.f32 v16;
	v44 =	vpop (erf)  }
0xe0: {  	v12 =	vadd.f32 v17, v12;
	(erf) = vrcp.f32 v45;
	v46 =	vmul.f32 v44, v44;
	_ =	sdelay $0x1  }
0xe1: {  	v48 =	vmul.f32 v34, v34;
	(erf) = vrcp.f32 v47;
	v12 =	vadd.f32 v46, v12;
	_ =	sdelay $0x1  }
0xe2: {  	v49 =	vmul.f32 v42, v42;
	v12 =	vadd.f32 v48, v12;
	_ =	sdelay $0x1  }
0xe3: {  	v13 =	vmul.f32 v43, v43;
	v50 =	vpop (erf);
	v12 =	vadd.f32 v49, v12  }
0xe4: {  	v51 =	vpop (erf)  }
0xe5: {  	v53 =	vmul.f32 v36, v36;
	v52 =	vadd.f32 $1.000000000e+00, v41;
	v54 =	vpop (erf);
	v12 =	vadd.f32 v13, v12  }
0xe6: {  	v55 =	vadd.f32 $1.000000000e+00, v35;
	v56 =	vpop (erf)  }
0xe7: {  	(erf) = vrcp.f32 v52;
	v15 =	vmul.f32 v56, v56;
	v12 =	vadd.f32 v53, v12  }
0xe8: {  	v57 =	vpop (erf)  }
0xe9: {  	(erf) = vrcp.f32 v55;
	v58 =	vmul.f32 v57, v57;
	v12 =	vadd.f32 v15, v12;
	_ =	sdelay $0x1  }
0xea: {  	v59 =	vmul.f32 v50, v50;
	v12 =	vadd.f32 v58, v12;
	_ =	sdelay $0x1  }
0xeb: {  	v60 =	vmul.f32 v51, v51;
	v12 =	vadd.f32 v59, v12;
	_ =	sdelay $0x1  }
0xec: {  	v61 =	vmul.f32 v54, v54;
	v12 =	vadd.f32 v60, v12  }
0xed: {  	v62 =	vpop (erf)  }
0xee: {  	v13 =	vmul.f32 v62, v62;
	v12 =	vadd.f32 v61, v12  }
0xef: {  	v63 =	vpop (erf)  }
0xf0: {  	v14 =	vmul.f32 v63, v63;
	v12 =	vadd.f32 v13, v12;
	_ =	sdelay $0x1  }
0xf1: {  	s19 =	sadd.s32 $0x1, s19;
	v12 =	vadd.f32 v14, v12  }
0xf2: {  	p0 =	sne.s32 s19, s10  }
.Ltmp1:
0xf3: {  	[tilespmem:$0x1C000] =	vst v12;
	(pc) =	sbr.rel @p0 .LBB2_1-.Ltmp1, $4  }
0xf4: {  	[hbm4b:s9+s2] =	stream.linear.scatter [tilespmem:s17], [sflag:$0x8], $0x80, $0x38;
	[tilespmem:$0x1C080] =	vst v63  }
0xf5: {  	_ =	swait.ge [sflag:s18], $0x80  }
0xf6: {  	[sflag:s18] =	ssyncset.done $0x0  }
0xf7: {  	[sflag:s18] =	ssyncadd.s32 $0xFFFFFF80  }
0xf8: {  	_ =	sfence.sel $0x180000  }
0xf9: {  	[bflag:$0x0] =	sbarrier.arrive $0xFFFF  }
0xfa: {  	p0 =	sne.s32 s0, $0x0;
	_ =	strace $0x90000047  }
0xfb: {  	s0 =	sadd.s32 @!p0 $0x100000, s1;
	[bflag:$0x2] =	sbarrier.arrive $0xFFFF  }
0xfc: {  	[sflag:s0] =	ssyncadd.tile.s32 @!p0 $0x1;
	_ =	shalt  }
.Lfunc_end2:
_tile_overlayer_lowered:
.L_overlay_start_2:
0xfd: {  	(tag) =	ssettag $0x2  }
0xfe: {  	s0 =	rddreg [dreg:$0x0];
	s2 =	stileid.u32  }
0xff: {  	s1 =	rddreg [dreg:$0x1];
	p0 =	sne.s32 s2, $0x0  }
0x100: {  	s3 =	rddreg [dreg:$0x2];
	[bflag:$0x3] =	sbarrier.arrive $0xFFFF;
	s2 =	simm.s32 @!p0 $0x1C08  }
0x101: {  	[timem:s3], [sflag:s2] =	dma.local @!p0 [hbm:s0], s1  }
0x102: {  	s0 =	simm.s32 @!p0 $0x8  }
0x103: {  	_ =	swait.ge @!p0 [sflag:s0], s1  }
0x104: {  	s1 =	ssub.s32 @!p0 $0x0, s1;
	[sflag:s0] =	ssyncset.done @!p0 $0x0  }
0x105: {  	[sflag:s0] =	ssyncadd.s32 @!p0 s1  }
0x106: {  	[bflag:$0x3] =	sbarrier.arrive $0xFFFF  }
0x107: {  	_ =	shalt  }

</sc_bundles>
